<compile_context>
chip_gen: v7x
topology: tpu7x:2x2x1
jax: 0.10.2.dev20260603
libtpu: 0.0.44.dev20260713+nightly
codegen_flags: <defaults>
</compile_context>

<pallas_src>
import jax
import jax.numpy as jnp
from jax.experimental import pallas as pl
from jax.experimental.pallas import tpu as pltpu

_NUM_CLASSES = 81
_TOP_K = 200
_SLOTS = 256
_NMS_THRESH = 0.45
_CONF_THRESH = 0.01
_V0 = 0.1
_V1 = 0.2
_ROWS = 160
_LANES = 128
_NEG = -jnp.inf
_BIG = 1e9


def _to_col(x_row, ident):
    return jnp.sum(ident * x_row, axis=1, keepdims=True)


def _detect_body(scores_ref, loc_ref, prior_ref, out_ref, iou_ref):
    loc = loc_ref[0]
    pr = prior_ref[...]
    cx = pr[0] + loc[0] * _V0 * pr[2]
    cy = pr[1] + loc[1] * _V0 * pr[3]
    w = pr[2] * jnp.exp(loc[2] * _V1)
    h = pr[3] * jnp.exp(loc[3] * _V1)
    dx1 = cx - w * 0.5
    dy1 = cy - h * 0.5
    dx2 = dx1 + w
    dy2 = dy1 + h

    s0 = scores_ref[0, 0]
    s0 = jnp.where(s0 > _CONF_THRESH, s0, _NEG)

    idx2d = (
        jax.lax.broadcasted_iota(jnp.int32, (_ROWS, _LANES), 0) * _LANES
        + jax.lax.broadcasted_iota(jnp.int32, (_ROWS, _LANES), 1)
    ).astype(jnp.float32)
    lane_s = jax.lax.broadcasted_iota(
        jnp.int32, (1, _SLOTS), 1).astype(jnp.float32)

    zrow = jnp.zeros((1, _SLOTS), jnp.float32)

    def sel_body(i, carry):
        s, v, jr = carry
        m = jnp.max(s)
        j = jnp.min(jnp.where(s == m, idx2d, _BIG))
        slot = lane_s == jnp.float32(i)
        v = jnp.where(slot, m, v)
        jr = jnp.where(slot, j, jr)
        s = jnp.where(idx2d == j, _NEG, s)
        return s, v, jr

    init = (s0, jnp.full((1, _SLOTS), _NEG, jnp.float32), zrow)
    _, v, jr = jax.lax.fori_loop(0, _TOP_K, sel_body, init)

    ident = jnp.where(
        jax.lax.broadcasted_iota(jnp.int32, (_SLOTS, _SLOTS), 0)
        == jax.lax.broadcasted_iota(jnp.int32, (_SLOTS, _SLOTS), 1),
        1.0, 0.0)
    j_col = _to_col(jr, ident)
    r_col = jnp.floor(j_col / float(_LANES))
    l_col = j_col - float(_LANES) * r_col
    iota_row = jax.lax.broadcasted_iota(jnp.int32, (1, _ROWS), 1).astype(jnp.float32)
    iota_lane = jax.lax.broadcasted_iota(jnp.int32, (1, _LANES), 1).astype(jnp.float32)
    grow = jnp.where(r_col == iota_row, 1.0, 0.0)
    lmask = jnp.where(l_col == iota_lane, 1.0, 0.0)

    def gather(dec):
        rows = jnp.dot(grow, dec, preferred_element_type=jnp.float32,
                       precision=jax.lax.Precision.HIGHEST)
        return jnp.sum(rows * lmask, axis=1, keepdims=True)

    x1c = gather(dx1)
    y1c = gather(dy1)
    x2c = gather(dx2)
    y2c = gather(dy2)

    def to_row(x_col):
        return jnp.sum(ident * x_col, axis=0, keepdims=True)

    x1 = to_row(x1c)
    y1 = to_row(y1c)
    x2 = to_row(x2c)
    y2 = to_row(y2c)

    area_r = jnp.maximum(x2 - x1, 0.0) * jnp.maximum(y2 - y1, 0.0)
    area_c = jnp.maximum(x2c - x1c, 0.0) * jnp.maximum(y2c - y1c, 0.0)
    iw = jnp.maximum(jnp.minimum(x2c, x2) - jnp.maximum(x1c, x1), 0.0)
    ih = jnp.maximum(jnp.minimum(y2c, y2) - jnp.maximum(y1c, y1), 0.0)
    inter = iw * ih
    union = jnp.maximum(area_c + area_r - inter, 1e-12)
    iou_ref[...] = inter / union

    valid_f = jnp.where(v > _CONF_THRESH, 1.0, 0.0)

    def nms_body(i, alive_f):
        row = iou_ref[pl.ds(i, 1), :]
        fi = jnp.float32(i)
        alive_i = jnp.sum(jnp.where(lane_s == fi, alive_f, 0.0))
        gate = jnp.where(alive_i > 0.0, 1.0, 0.0)
        supp = jnp.where((row > _NMS_THRESH) & (lane_s > fi), gate, 0.0)
        return alive_f * (1.0 - supp)

    af = jax.lax.fori_loop(0, _TOP_K, nms_body, valid_f)
    alive = af > 0.0

    tri = jnp.where(
        jax.lax.broadcasted_iota(jnp.int32, (_SLOTS, _SLOTS), 0)
        <= jax.lax.broadcasted_iota(jnp.int32, (_SLOTS, _SLOTS), 1),
        1.0, 0.0)
    pos = jnp.dot(af, tri, preferred_element_type=jnp.float32) - 1.0

    pos_c = _to_col(pos, ident)
    alive_c = _to_col(af, ident) > 0.0
    perm = (pos_c == lane_s) & alive_c
    pf = jnp.where(perm, 1.0, 0.0)

    def compact(e_row):
        e = jnp.where(alive, e_row, 0.0)
        return jnp.sum(pf * _to_col(e, ident), axis=0, keepdims=True)

    out = jnp.concatenate(
        [compact(v), compact(x1), compact(y1), compact(x2), compact(y2),
         jnp.zeros((3, _SLOTS), jnp.float32)],
        axis=0,
    )
    out_ref[0, 0] = out


@jax.jit
def kernel(loc_data, conf_data, prior_data):
    b, n, _ = loc_data.shape
    ncls = conf_data.shape[-1]
    npad = _ROWS * _LANES

    conf = conf_data.reshape(b, n, ncls).transpose(0, 2, 1)[:, 1:]
    conf = jnp.pad(conf, ((0, 0), (0, 0), (0, npad - n)))
    scores = conf.reshape(b, ncls - 1, _ROWS, _LANES)

    loc_t = jnp.pad(loc_data.transpose(0, 2, 1), ((0, 0), (0, 0), (0, npad - n)))
    loc_t = loc_t.reshape(b, 4, _ROWS, _LANES)
    pr_t = jnp.pad(prior_data.transpose(1, 0), ((0, 0), (0, npad - n)))
    pr_t = pr_t.reshape(4, _ROWS, _LANES)

    res = pl.pallas_call(
        _detect_body,
        grid=(b, ncls - 1),
        in_specs=[
            pl.BlockSpec((1, 1, _ROWS, _LANES), lambda i, j: (i, j, 0, 0)),
            pl.BlockSpec((1, 4, _ROWS, _LANES), lambda i, j: (i, 0, 0, 0)),
            pl.BlockSpec((4, _ROWS, _LANES), lambda i, j: (0, 0, 0)),
        ],
        out_specs=pl.BlockSpec((1, 1, 8, _SLOTS), lambda i, j: (i, j, 0, 0)),
        out_shape=jax.ShapeDtypeStruct((b, ncls - 1, 8, _SLOTS), jnp.float32),
        scratch_shapes=[pltpu.VMEM((_SLOTS, _SLOTS), jnp.float32)],
        compiler_params=pltpu.CompilerParams(
            dimension_semantics=("parallel", "parallel")),
    )(scores, loc_t, pr_t)

    cls_out = res.transpose(0, 1, 3, 2)[:, :, :_TOP_K, :5]
    bg = jnp.zeros((b, 1, _TOP_K, 5), jnp.float32)
    return jnp.concatenate([bg, cls_out], axis=1)

# --- scband reference (transcript-rebuilt; emitter-appended) ---
"""Pipeline reference for scband-detect-4389456576981 (READ-ONLY COPY).

The authoritative reference and input builder live on the scoring server;
editing this copy changes nothing except your own understanding.
"""

import jax, jax.numpy as jnp
import numpy as np

NUM_CLASSES = 81
TOP_K = 200
NMS_THRESH = 0.45
CONF_THRESH = 0.01
VARIANCE = (0.1, 0.2)
BATCH = 8
NUM_PRIORS = 20000


def setup_inputs(seed: int = 0):
    key = jax.random.key(seed)
    k1, k2, k3 = jax.random.split(key, 3)
    loc_data = jax.random.normal(k1, (BATCH, NUM_PRIORS, 4), dtype=jnp.float32)
    conf_data = jax.random.uniform(k2, (BATCH * NUM_PRIORS, NUM_CLASSES), dtype=jnp.float32)
    prior_data = jax.random.uniform(k3, (NUM_PRIORS, 4), dtype=jnp.float32)
    return {"loc_data": loc_data, "conf_data": conf_data, "prior_data": prior_data}


def _decode(loc, priors):
    # standard SSD decode (center-size encoding with variances)
    cxcy = priors[:, :2] + loc[:, :2] * VARIANCE[0] * priors[:, 2:]
    wh = priors[:, 2:] * jnp.exp(loc[:, 2:] * VARIANCE[1])
    tl = cxcy - wh / 2.0
    br = tl + wh
    return jnp.concatenate([tl, br], axis=1)


def _pairwise_iou(boxes):
    area = jnp.clip(boxes[:, 2] - boxes[:, 0], 0.0) * jnp.clip(boxes[:, 3] - boxes[:, 1], 0.0)
    tl = jnp.maximum(boxes[:, None, :2], boxes[None, :, :2])
    br = jnp.minimum(boxes[:, None, 2:], boxes[None, :, 2:])
    wh = jnp.clip(br - tl, 0.0)
    inter = wh[..., 0] * wh[..., 1]
    union = area[:, None] + area[None, :] - inter
    return inter / jnp.maximum(union, 1e-12)


def _nms_class(decoded_boxes, scores):
    # classic SSD nms: threshold, keep top_k candidates by score, greedy IoU suppression
    masked = jnp.where(scores > CONF_THRESH, scores, -jnp.inf)
    vals, idx = jax.lax.top_k(masked, TOP_K)
    cand = decoded_boxes[idx]
    iou = _pairwise_iou(cand)
    valid = vals > CONF_THRESH
    ar = jnp.arange(TOP_K)

    def body(i, alive):
        suppress = (iou[i] > NMS_THRESH) & alive[i] & (ar > i)
        return alive & (~suppress)

    alive = jax.lax.fori_loop(0, TOP_K, body, valid)
    entries = jnp.concatenate([vals[:, None], cand], axis=1)
    entries = jnp.where(alive[:, None], entries, 0.0)
    pos = jnp.cumsum(alive.astype(jnp.int32)) - 1
    pos = jnp.where(alive, pos, TOP_K)  # out-of-bounds -> dropped
    out = jnp.zeros((TOP_K, 5), dtype=decoded_boxes.dtype)
    out = out.at[pos].set(entries, mode="drop")
    return out


@jax.jit
def _forward(loc_data, conf_data, prior_data):
    num = loc_data.shape[0]
    conf_preds = conf_data.reshape(num, NUM_PRIORS, NUM_CLASSES).transpose(0, 2, 1)

    def per_image(loc, conf):
        decoded = _decode(loc.reshape(-1, 4), prior_data)
        cls_out = jax.vmap(lambda s: _nms_class(decoded, s))(conf[1:])
        bg = jnp.zeros((1, TOP_K, 5), dtype=cls_out.dtype)
        return jnp.concatenate([bg, cls_out], axis=0)

    output = jax.vmap(per_image)(loc_data, conf_preds)
    # NOTE: the final rank-based masked fill_(0) in the torch code operates on a
    # copy produced by advanced indexing and is therefore a no-op; output is returned as-is.
    return output


def reference(loc_data, conf_data, prior_data):
    return _forward(loc_data, conf_data, prior_data)

if __name__ == "__main__":
    import jax
    _d = setup_inputs()
    print(jax.jit(kernel)(*tuple(_d.values())))

</pallas_src>

<mosaic_0001>
module attributes {stable_mosaic.version = 14 : i64} {
  func.func @_detect_body(%arg0: i32, %arg1: i32, %arg2: memref<1x1x160x128xf32, #tpu.memory_space<vmem>>, %arg3: memref<1x4x160x128xf32, #tpu.memory_space<vmem>>, %arg4: memref<4x160x128xf32, #tpu.memory_space<vmem>>, %arg5: memref<1x1x8x256xf32, #tpu.memory_space<vmem>>, %arg6: memref<256x256xf32, #tpu.memory_space<vmem>>) attributes {dimension_semantics = [#tpu.dimension_semantics<parallel>, #tpu.dimension_semantics<parallel>], iteration_bounds = array<i64: 8, 80>, scalar_prefetch = 0 : i64, scratch_operands = 1 : i64, tpu.core_type = #tpu.core_type<tc>, window_params = [{transform_indices = @transform_0, window_bounds = array<i64: 1, 1, 160, 128>}, {transform_indices = @transform_1, window_bounds = array<i64: 1, 4, 160, 128>}, {pipeline_mode = #tpu.pipeline_mode<synchronous>, transform_indices = @transform_2, window_bounds = array<i64: 4, 160, 128>}, {transform_indices = @transform_3, window_bounds = array<i64: 1, 1, 8, 256>}]} {
    %get3A = arith.constant 0 : index
    %get3A_0 = arith.constant 0 : index
    %get3A_1 = arith.constant 0 : index
    %get3A_2 = arith.constant 0 : index
    %get3A_3 = vector.load %arg3[%get3A, %get3A_0, %get3A_1, %get3A_2] : memref<1x4x160x128xf32, #tpu.memory_space<vmem>>, vector<1x4x160x128xf32>
    %get3A_4 = vector.shape_cast %get3A_3 : vector<1x4x160x128xf32> to vector<4x160x128xf32>
    %get3A_5 = arith.constant 0 : index
    %get3A_6 = arith.constant 0 : index
    %get3A_7 = arith.constant 0 : index
    %get3A_8 = vector.load %arg4[%get3A_5, %get3A_6, %get3A_7] : memref<4x160x128xf32, #tpu.memory_space<vmem>>, vector<4x160x128xf32>
    %slice3A = vector.extract_strided_slice %get3A_8 {offsets = [0, 0, 0], sizes = [1, 160, 128], strides = [1, 1, 1]} : vector<4x160x128xf32> to vector<1x160x128xf32>
    %squeeze3A = vector.shape_cast %slice3A : vector<1x160x128xf32> to vector<160x128xf32>
    %slice3A_9 = vector.extract_strided_slice %get3A_4 {offsets = [0, 0, 0], sizes = [1, 160, 128], strides = [1, 1, 1]} : vector<4x160x128xf32> to vector<1x160x128xf32>
    %squeeze3A_10 = vector.shape_cast %slice3A_9 : vector<1x160x128xf32> to vector<160x128xf32>
    %mul3A = arith.constant 1.000000e-01 : f32
    %mul3A_11 = vector.broadcast %mul3A : f32 to vector<160x128xf32>
    %mul3A_12 = arith.mulf %squeeze3A_10, %mul3A_11 : vector<160x128xf32>
    %slice3A_13 = vector.extract_strided_slice %get3A_8 {offsets = [2, 0, 0], sizes = [1, 160, 128], strides = [1, 1, 1]} : vector<4x160x128xf32> to vector<1x160x128xf32>
    %squeeze3A_14 = vector.shape_cast %slice3A_13 : vector<1x160x128xf32> to vector<160x128xf32>
    %mul3A_15 = arith.mulf %mul3A_12, %squeeze3A_14 : vector<160x128xf32>
    %add3A = arith.addf %squeeze3A, %mul3A_15 : vector<160x128xf32>
    %slice3A_16 = vector.extract_strided_slice %get3A_8 {offsets = [1, 0, 0], sizes = [1, 160, 128], strides = [1, 1, 1]} : vector<4x160x128xf32> to vector<1x160x128xf32>
    %squeeze3A_17 = vector.shape_cast %slice3A_16 : vector<1x160x128xf32> to vector<160x128xf32>
    %slice3A_18 = vector.extract_strided_slice %get3A_4 {offsets = [1, 0, 0], sizes = [1, 160, 128], strides = [1, 1, 1]} : vector<4x160x128xf32> to vector<1x160x128xf32>
    %squeeze3A_19 = vector.shape_cast %slice3A_18 : vector<1x160x128xf32> to vector<160x128xf32>
    %mul3A_20 = arith.constant 1.000000e-01 : f32
    %mul3A_21 = vector.broadcast %mul3A_20 : f32 to vector<160x128xf32>
    %mul3A_22 = arith.mulf %squeeze3A_19, %mul3A_21 : vector<160x128xf32>
    %slice3A_23 = vector.extract_strided_slice %get3A_8 {offsets = [3, 0, 0], sizes = [1, 160, 128], strides = [1, 1, 1]} : vector<4x160x128xf32> to vector<1x160x128xf32>
    %squeeze3A_24 = vector.shape_cast %slice3A_23 : vector<1x160x128xf32> to vector<160x128xf32>
    %mul3A_25 = arith.mulf %mul3A_22, %squeeze3A_24 : vector<160x128xf32>
    %add3A_26 = arith.addf %squeeze3A_17, %mul3A_25 : vector<160x128xf32>
    %slice3A_27 = vector.extract_strided_slice %get3A_8 {offsets = [2, 0, 0], sizes = [1, 160, 128], strides = [1, 1, 1]} : vector<4x160x128xf32> to vector<1x160x128xf32>
    %squeeze3A_28 = vector.shape_cast %slice3A_27 : vector<1x160x128xf32> to vector<160x128xf32>
    %slice3A_29 = vector.extract_strided_slice %get3A_4 {offsets = [2, 0, 0], sizes = [1, 160, 128], strides = [1, 1, 1]} : vector<4x160x128xf32> to vector<1x160x128xf32>
    %squeeze3A_30 = vector.shape_cast %slice3A_29 : vector<1x160x128xf32> to vector<160x128xf32>
    %mul3A_31 = arith.constant 2.000000e-01 : f32
    %mul3A_32 = vector.broadcast %mul3A_31 : f32 to vector<160x128xf32>
    %mul3A_33 = arith.mulf %squeeze3A_30, %mul3A_32 : vector<160x128xf32>
    %exp3A = math.exp %mul3A_33 : vector<160x128xf32>
    %mul3A_34 = arith.mulf %squeeze3A_28, %exp3A : vector<160x128xf32>
    %slice3A_35 = vector.extract_strided_slice %get3A_8 {offsets = [3, 0, 0], sizes = [1, 160, 128], strides = [1, 1, 1]} : vector<4x160x128xf32> to vector<1x160x128xf32>
    %squeeze3A_36 = vector.shape_cast %slice3A_35 : vector<1x160x128xf32> to vector<160x128xf32>
    %slice3A_37 = vector.extract_strided_slice %get3A_4 {offsets = [3, 0, 0], sizes = [1, 160, 128], strides = [1, 1, 1]} : vector<4x160x128xf32> to vector<1x160x128xf32>
    %squeeze3A_38 = vector.shape_cast %slice3A_37 : vector<1x160x128xf32> to vector<160x128xf32>
    %mul3A_39 = arith.constant 2.000000e-01 : f32
    %mul3A_40 = vector.broadcast %mul3A_39 : f32 to vector<160x128xf32>
    %mul3A_41 = arith.mulf %squeeze3A_38, %mul3A_40 : vector<160x128xf32>
    %exp3A_42 = math.exp %mul3A_41 : vector<160x128xf32>
    %mul3A_43 = arith.mulf %squeeze3A_36, %exp3A_42 : vector<160x128xf32>
    %mul3A_44 = arith.constant 5.000000e-01 : f32
    %mul3A_45 = vector.broadcast %mul3A_44 : f32 to vector<160x128xf32>
    %mul3A_46 = arith.mulf %mul3A_34, %mul3A_45 : vector<160x128xf32>
    %sub3A = arith.subf %add3A, %mul3A_46 : vector<160x128xf32>
    %mul3A_47 = arith.constant 5.000000e-01 : f32
    %mul3A_48 = vector.broadcast %mul3A_47 : f32 to vector<160x128xf32>
    %mul3A_49 = arith.mulf %mul3A_43, %mul3A_48 : vector<160x128xf32>
    %sub3A_50 = arith.subf %add3A_26, %mul3A_49 : vector<160x128xf32>
    %add3A_51 = arith.addf %sub3A, %mul3A_34 : vector<160x128xf32>
    %add3A_52 = arith.addf %sub3A_50, %mul3A_43 : vector<160x128xf32>
    %get3A_53 = arith.constant 0 : index
    %get3A_54 = arith.constant 0 : index
    %get3A_55 = arith.constant 0 : index
    %get3A_56 = arith.constant 0 : index
    %get3A_57 = vector.load %arg2[%get3A_53, %get3A_54, %get3A_55, %get3A_56] : memref<1x1x160x128xf32, #tpu.memory_space<vmem>>, vector<1x1x160x128xf32>
    %get3A_58 = vector.shape_cast %get3A_57 : vector<1x1x160x128xf32> to vector<160x128xf32>
    %gt3A = arith.constant 0.00999999977 : f32
    %gt3A_59 = vector.broadcast %gt3A : f32 to vector<160x128xf32>
    %gt3A_60 = arith.cmpf ogt, %get3A_58, %gt3A_59 : vector<160x128xf32>
    %jit3A = arith.constant 0xFF800000 : f32
    %broadcast_in_dim3A = vector.broadcast %jit3A : f32 to vector<160x128xf32>
    %select_n3A = arith.select %gt3A_60, %get3A_58, %broadcast_in_dim3A : vector<160x128xi1>, vector<160x128xf32>
    %iota3A = tpu.iota {dimensions = array<i32: 0>} : vector<160x128xi32>
    %mul3A_61 = arith.constant 128 : i32
    %mul3A_62 = vector.broadcast %mul3A_61 : i32 to vector<160x128xi32>
    %mul3A_63 = arith.muli %iota3A, %mul3A_62 : vector<160x128xi32>
    %iota3A_64 = tpu.iota {dimensions = array<i32: 1>} : vector<160x128xi32>
    %add3A_65 = arith.addi %mul3A_63, %iota3A_64 : vector<160x128xi32>
    %convert_element_type3A = arith.sitofp %add3A_65 : vector<160x128xi32> to vector<160x128xf32>
    %iota3A_66 = tpu.iota {dimensions = array<i32: 1>} : vector<1x256xi32>
    %convert_element_type3A_67 = arith.sitofp %iota3A_66 : vector<1x256xi32> to vector<1x256xf32>
    %broadcast_in_dim3A_68 = arith.constant 0.000000e+00 : f32
    %broadcast_in_dim3A_69 = vector.broadcast %broadcast_in_dim3A_68 : f32 to vector<1x256xf32>
    %broadcast_in_dim3A_70 = arith.constant 0xFF800000 : f32
    %broadcast_in_dim3A_71 = vector.broadcast %broadcast_in_dim3A_70 : f32 to vector<1x256xf32>
    %scan3A = arith.constant 0 : i32
    %scan3A_72 = arith.constant 200 : i32
    %scan3A_73 = arith.addi %scan3A, %scan3A_72 : i32
    %scan3A_74 = arith.constant 1 : i32
    %scan3A_75:3 = scf.for %scan3A_329 = %scan3A to %scan3A_73 step %scan3A_74 iter_args(%scan3A_330 = %select_n3A, %scan3A_331 = %broadcast_in_dim3A_71, %scan3A_332 = %broadcast_in_dim3A_69) -> (vector<160x128xf32>, vector<1x256xf32>, vector<1x256xf32>)  : i32 {
      %reduce_max3A = vector.shape_cast %scan3A_330 : vector<160x128xf32> to vector<1x160x128xf32>
      %reduce_max3A_333 = arith.constant dense<0xFF800000> : vector<1xf32>
      %reduce_max3A_334 = vector.multi_reduction <maximumf>, %reduce_max3A, %reduce_max3A_333 [1, 2] : vector<1x160x128xf32> to vector<1xf32>
      %reduce_max3A_335 = vector.shape_cast %reduce_max3A_334 : vector<1xf32> to vector<1x1x1xf32>
      %reduce_max3A_336 = vector.extract %reduce_max3A_335[0, 0, 0] : f32 from vector<1x1x1xf32>
      %eq3A_337 = vector.broadcast %reduce_max3A_336 : f32 to vector<160x128xf32>
      %eq3A_338 = arith.cmpf oeq, %scan3A_330, %eq3A_337 : vector<160x128xf32>
      %jit3A_339 = arith.constant 1.000000e+09 : f32
      %broadcast_in_dim3A_340 = vector.broadcast %jit3A_339 : f32 to vector<160x128xf32>
      %select_n3A_341 = arith.select %eq3A_338, %convert_element_type3A, %broadcast_in_dim3A_340 : vector<160x128xi1>, vector<160x128xf32>
      %reduce_min3A = vector.shape_cast %select_n3A_341 : vector<160x128xf32> to vector<1x160x128xf32>
      %reduce_min3A_342 = arith.constant dense<0x7F800000> : vector<1xf32>
      %reduce_min3A_343 = vector.multi_reduction <minimumf>, %reduce_min3A, %reduce_min3A_342 [1, 2] : vector<1x160x128xf32> to vector<1xf32>
      %reduce_min3A_344 = vector.shape_cast %reduce_min3A_343 : vector<1xf32> to vector<1x1x1xf32>
      %reduce_min3A_345 = vector.extract %reduce_min3A_344[0, 0, 0] : f32 from vector<1x1x1xf32>
      %convert_element_type3A_346 = arith.sitofp %scan3A_329 : i32 to f32
      %eq3A_347 = vector.broadcast %convert_element_type3A_346 : f32 to vector<1x256xf32>
      %eq3A_348 = arith.cmpf oeq, %convert_element_type3A_67, %eq3A_347 : vector<1x256xf32>
      %broadcast_in_dim3A_349 = vector.broadcast %reduce_max3A_336 : f32 to vector<1x256xf32>
      %select_n3A_350 = arith.select %eq3A_348, %broadcast_in_dim3A_349, %scan3A_331 : vector<1x256xi1>, vector<1x256xf32>
      %broadcast_in_dim3A_351 = vector.broadcast %reduce_min3A_345 : f32 to vector<1x256xf32>
      %select_n3A_352 = arith.select %eq3A_348, %broadcast_in_dim3A_351, %scan3A_332 : vector<1x256xi1>, vector<1x256xf32>
      %eq3A_353 = vector.broadcast %reduce_min3A_345 : f32 to vector<160x128xf32>
      %eq3A_354 = arith.cmpf oeq, %convert_element_type3A, %eq3A_353 : vector<160x128xf32>
      %jit3A_355 = arith.constant 0xFF800000 : f32
      %broadcast_in_dim3A_356 = vector.broadcast %jit3A_355 : f32 to vector<160x128xf32>
      %select_n3A_357 = arith.select %eq3A_354, %broadcast_in_dim3A_356, %scan3A_330 : vector<160x128xi1>, vector<160x128xf32>
      scf.yield %select_n3A_357, %select_n3A_350, %select_n3A_352 : vector<160x128xf32>, vector<1x256xf32>, vector<1x256xf32>
    }
    %scan3A_76 = arith.constant 200 : i32
    %iota3A_77 = tpu.iota {dimensions = array<i32: 0>} : vector<256x256xi32>
    %iota3A_78 = tpu.iota {dimensions = array<i32: 1>} : vector<256x256xi32>
    %eq3A = arith.cmpi eq, %iota3A_77, %iota3A_78 : vector<256x256xi32>
    %jit3A_79 = arith.constant 1.000000e+00 : f32
    %jit3A_80 = arith.constant 0.000000e+00 : f32
    %broadcast_in_dim3A_81 = vector.broadcast %jit3A_79 : f32 to vector<256x256xf32>
    %broadcast_in_dim3A_82 = vector.broadcast %jit3A_80 : f32 to vector<256x256xf32>
    %select_n3A_83 = arith.select %eq3A, %broadcast_in_dim3A_81, %broadcast_in_dim3A_82 : vector<256x256xi1>, vector<256x256xf32>
    %mul3A_84 = vector.broadcast %scan3A_75#2 : vector<1x256xf32> to vector<256x256xf32>
    %mul3A_85 = arith.mulf %select_n3A_83, %mul3A_84 : vector<256x256xf32>
    %reduce_sum3A = arith.constant dense<0.000000e+00> : vector<256xf32>
    %reduce_sum3A_86 = vector.multi_reduction <add>, %mul3A_85, %reduce_sum3A [1] : vector<256x256xf32> to vector<256xf32>
    %broadcast_in_dim3A_87 = vector.shape_cast %reduce_sum3A_86 : vector<256xf32> to vector<256x1xf32>
    %div3A = arith.constant 1.280000e+02 : f32
    %div3A_88 = vector.broadcast %div3A : f32 to vector<256x1xf32>
    %div3A_89 = arith.divf %broadcast_in_dim3A_87, %div3A_88 : vector<256x1xf32>
    %floor3A = math.floor %div3A_89 : vector<256x1xf32>
    %mul3A_90 = arith.constant 1.280000e+02 : f32
    %mul3A_91 = vector.broadcast %mul3A_90 : f32 to vector<256x1xf32>
    %mul3A_92 = arith.mulf %mul3A_91, %floor3A : vector<256x1xf32>
    %sub3A_93 = arith.subf %broadcast_in_dim3A_87, %mul3A_92 : vector<256x1xf32>
    %iota3A_94 = tpu.iota {dimensions = array<i32: 1>} : vector<1x160xi32>
    %convert_element_type3A_95 = arith.sitofp %iota3A_94 : vector<1x160xi32> to vector<1x160xf32>
    %iota3A_96 = tpu.iota {dimensions = array<i32: 1>} : vector<1x128xi32>
    %convert_element_type3A_97 = arith.sitofp %iota3A_96 : vector<1x128xi32> to vector<1x128xf32>
    %eq3A_98 = vector.broadcast %floor3A : vector<256x1xf32> to vector<256x160xf32>
    %eq3A_99 = vector.broadcast %convert_element_type3A_95 : vector<1x160xf32> to vector<256x160xf32>
    %eq3A_100 = arith.cmpf oeq, %eq3A_98, %eq3A_99 : vector<256x160xf32>
    %jit3A_101 = arith.constant 1.000000e+00 : f32
    %jit3A_102 = arith.constant 0.000000e+00 : f32
    %broadcast_in_dim3A_103 = vector.broadcast %jit3A_101 : f32 to vector<256x160xf32>
    %broadcast_in_dim3A_104 = vector.broadcast %jit3A_102 : f32 to vector<256x160xf32>
    %select_n3A_105 = arith.select %eq3A_100, %broadcast_in_dim3A_103, %broadcast_in_dim3A_104 : vector<256x160xi1>, vector<256x160xf32>
    %eq3A_106 = vector.broadcast %sub3A_93 : vector<256x1xf32> to vector<256x128xf32>
    %eq3A_107 = vector.broadcast %convert_element_type3A_97 : vector<1x128xf32> to vector<256x128xf32>
    %eq3A_108 = arith.cmpf oeq, %eq3A_106, %eq3A_107 : vector<256x128xf32>
    %jit3A_109 = arith.constant 1.000000e+00 : f32
    %jit3A_110 = arith.constant 0.000000e+00 : f32
    %broadcast_in_dim3A_111 = vector.broadcast %jit3A_109 : f32 to vector<256x128xf32>
    %broadcast_in_dim3A_112 = vector.broadcast %jit3A_110 : f32 to vector<256x128xf32>
    %select_n3A_113 = arith.select %eq3A_108, %broadcast_in_dim3A_111, %broadcast_in_dim3A_112 : vector<256x128xi1>, vector<256x128xf32>
    %dot_general3A = arith.constant dense<0.000000e+00> : vector<256x128xf32>
    %dot_general3A_114 = tpu.matmul %select_n3A_105, %sub3A, %dot_general3A {dimension_numbers = #tpu.dot_dimension_numbers<[1], [0], [0], [1], [0, 0, 1, 1], [], []>, precision = #tpu.contract_precision<fp32>, transpose_lhs_hint = false} : vector<256x160xf32>, vector<160x128xf32>, vector<256x128xf32> -> vector<256x128xf32>
    %mul3A_115 = arith.mulf %dot_general3A_114, %select_n3A_113 : vector<256x128xf32>
    %reduce_sum3A_116 = arith.constant dense<0.000000e+00> : vector<256xf32>
    %reduce_sum3A_117 = vector.multi_reduction <add>, %mul3A_115, %reduce_sum3A_116 [1] : vector<256x128xf32> to vector<256xf32>
    %broadcast_in_dim3A_118 = vector.shape_cast %reduce_sum3A_117 : vector<256xf32> to vector<256x1xf32>
    %dot_general3A_119 = arith.constant dense<0.000000e+00> : vector<256x128xf32>
    %dot_general3A_120 = tpu.matmul %select_n3A_105, %sub3A_50, %dot_general3A_119 {dimension_numbers = #tpu.dot_dimension_numbers<[1], [0], [0], [1], [0, 0, 1, 1], [], []>, precision = #tpu.contract_precision<fp32>, transpose_lhs_hint = false} : vector<256x160xf32>, vector<160x128xf32>, vector<256x128xf32> -> vector<256x128xf32>
    %mul3A_121 = arith.mulf %dot_general3A_120, %select_n3A_113 : vector<256x128xf32>
    %reduce_sum3A_122 = arith.constant dense<0.000000e+00> : vector<256xf32>
    %reduce_sum3A_123 = vector.multi_reduction <add>, %mul3A_121, %reduce_sum3A_122 [1] : vector<256x128xf32> to vector<256xf32>
    %broadcast_in_dim3A_124 = vector.shape_cast %reduce_sum3A_123 : vector<256xf32> to vector<256x1xf32>
    %dot_general3A_125 = arith.constant dense<0.000000e+00> : vector<256x128xf32>
    %dot_general3A_126 = tpu.matmul %select_n3A_105, %add3A_51, %dot_general3A_125 {dimension_numbers = #tpu.dot_dimension_numbers<[1], [0], [0], [1], [0, 0, 1, 1], [], []>, precision = #tpu.contract_precision<fp32>, transpose_lhs_hint = false} : vector<256x160xf32>, vector<160x128xf32>, vector<256x128xf32> -> vector<256x128xf32>
    %mul3A_127 = arith.mulf %dot_general3A_126, %select_n3A_113 : vector<256x128xf32>
    %reduce_sum3A_128 = arith.constant dense<0.000000e+00> : vector<256xf32>
    %reduce_sum3A_129 = vector.multi_reduction <add>, %mul3A_127, %reduce_sum3A_128 [1] : vector<256x128xf32> to vector<256xf32>
    %broadcast_in_dim3A_130 = vector.shape_cast %reduce_sum3A_129 : vector<256xf32> to vector<256x1xf32>
    %dot_general3A_131 = arith.constant dense<0.000000e+00> : vector<256x128xf32>
    %dot_general3A_132 = tpu.matmul %select_n3A_105, %add3A_52, %dot_general3A_131 {dimension_numbers = #tpu.dot_dimension_numbers<[1], [0], [0], [1], [0, 0, 1, 1], [], []>, precision = #tpu.contract_precision<fp32>, transpose_lhs_hint = false} : vector<256x160xf32>, vector<160x128xf32>, vector<256x128xf32> -> vector<256x128xf32>
    %mul3A_133 = arith.mulf %dot_general3A_132, %select_n3A_113 : vector<256x128xf32>
    %reduce_sum3A_134 = arith.constant dense<0.000000e+00> : vector<256xf32>
    %reduce_sum3A_135 = vector.multi_reduction <add>, %mul3A_133, %reduce_sum3A_134 [1] : vector<256x128xf32> to vector<256xf32>
    %broadcast_in_dim3A_136 = vector.shape_cast %reduce_sum3A_135 : vector<256xf32> to vector<256x1xf32>
    %mul3A_137 = vector.broadcast %broadcast_in_dim3A_118 : vector<256x1xf32> to vector<256x256xf32>
    %mul3A_138 = arith.mulf %select_n3A_83, %mul3A_137 : vector<256x256xf32>
    %reduce_sum3A_139 = arith.constant dense<0.000000e+00> : vector<256xf32>
    %reduce_sum3A_140 = vector.multi_reduction <add>, %mul3A_138, %reduce_sum3A_139 [0] : vector<256x256xf32> to vector<256xf32>
    %broadcast_in_dim3A_141 = vector.shape_cast %reduce_sum3A_140 : vector<256xf32> to vector<1x256xf32>
    %mul3A_142 = vector.broadcast %broadcast_in_dim3A_124 : vector<256x1xf32> to vector<256x256xf32>
    %mul3A_143 = arith.mulf %select_n3A_83, %mul3A_142 : vector<256x256xf32>
    %reduce_sum3A_144 = arith.constant dense<0.000000e+00> : vector<256xf32>
    %reduce_sum3A_145 = vector.multi_reduction <add>, %mul3A_143, %reduce_sum3A_144 [0] : vector<256x256xf32> to vector<256xf32>
    %broadcast_in_dim3A_146 = vector.shape_cast %reduce_sum3A_145 : vector<256xf32> to vector<1x256xf32>
    %mul3A_147 = vector.broadcast %broadcast_in_dim3A_130 : vector<256x1xf32> to vector<256x256xf32>
    %mul3A_148 = arith.mulf %select_n3A_83, %mul3A_147 : vector<256x256xf32>
    %reduce_sum3A_149 = arith.constant dense<0.000000e+00> : vector<256xf32>
    %reduce_sum3A_150 = vector.multi_reduction <add>, %mul3A_148, %reduce_sum3A_149 [0] : vector<256x256xf32> to vector<256xf32>
    %broadcast_in_dim3A_151 = vector.shape_cast %reduce_sum3A_150 : vector<256xf32> to vector<1x256xf32>
    %mul3A_152 = vector.broadcast %broadcast_in_dim3A_136 : vector<256x1xf32> to vector<256x256xf32>
    %mul3A_153 = arith.mulf %select_n3A_83, %mul3A_152 : vector<256x256xf32>
    %reduce_sum3A_154 = arith.constant dense<0.000000e+00> : vector<256xf32>
    %reduce_sum3A_155 = vector.multi_reduction <add>, %mul3A_153, %reduce_sum3A_154 [0] : vector<256x256xf32> to vector<256xf32>
    %broadcast_in_dim3A_156 = vector.shape_cast %reduce_sum3A_155 : vector<256xf32> to vector<1x256xf32>
    %sub3A_157 = arith.subf %broadcast_in_dim3A_151, %broadcast_in_dim3A_141 : vector<1x256xf32>
    %max3A = arith.constant 0.000000e+00 : f32
    %max3A_158 = vector.broadcast %max3A : f32 to vector<1x256xf32>
    %max3A_159 = arith.maximumf %sub3A_157, %max3A_158 : vector<1x256xf32>
    %sub3A_160 = arith.subf %broadcast_in_dim3A_156, %broadcast_in_dim3A_146 : vector<1x256xf32>
    %max3A_161 = arith.constant 0.000000e+00 : f32
    %max3A_162 = vector.broadcast %max3A_161 : f32 to vector<1x256xf32>
    %max3A_163 = arith.maximumf %sub3A_160, %max3A_162 : vector<1x256xf32>
    %mul3A_164 = arith.mulf %max3A_159, %max3A_163 : vector<1x256xf32>
    %sub3A_165 = arith.subf %broadcast_in_dim3A_130, %broadcast_in_dim3A_118 : vector<256x1xf32>
    %max3A_166 = arith.constant 0.000000e+00 : f32
    %max3A_167 = vector.broadcast %max3A_166 : f32 to vector<256x1xf32>
    %max3A_168 = arith.maximumf %sub3A_165, %max3A_167 : vector<256x1xf32>
    %sub3A_169 = arith.subf %broadcast_in_dim3A_136, %broadcast_in_dim3A_124 : vector<256x1xf32>
    %max3A_170 = arith.constant 0.000000e+00 : f32
    %max3A_171 = vector.broadcast %max3A_170 : f32 to vector<256x1xf32>
    %max3A_172 = arith.maximumf %sub3A_169, %max3A_171 : vector<256x1xf32>
    %mul3A_173 = arith.mulf %max3A_168, %max3A_172 : vector<256x1xf32>
    %min3A = vector.broadcast %broadcast_in_dim3A_130 : vector<256x1xf32> to vector<256x256xf32>
    %min3A_174 = vector.broadcast %broadcast_in_dim3A_151 : vector<1x256xf32> to vector<256x256xf32>
    %min3A_175 = arith.minimumf %min3A, %min3A_174 : vector<256x256xf32>
    %max3A_176 = vector.broadcast %broadcast_in_dim3A_118 : vector<256x1xf32> to vector<256x256xf32>
    %max3A_177 = vector.broadcast %broadcast_in_dim3A_141 : vector<1x256xf32> to vector<256x256xf32>
    %max3A_178 = arith.maximumf %max3A_176, %max3A_177 : vector<256x256xf32>
    %sub3A_179 = arith.subf %min3A_175, %max3A_178 : vector<256x256xf32>
    %max3A_180 = arith.constant 0.000000e+00 : f32
    %max3A_181 = vector.broadcast %max3A_180 : f32 to vector<256x256xf32>
    %max3A_182 = arith.maximumf %sub3A_179, %max3A_181 : vector<256x256xf32>
    %min3A_183 = vector.broadcast %broadcast_in_dim3A_136 : vector<256x1xf32> to vector<256x256xf32>
    %min3A_184 = vector.broadcast %broadcast_in_dim3A_156 : vector<1x256xf32> to vector<256x256xf32>
    %min3A_185 = arith.minimumf %min3A_183, %min3A_184 : vector<256x256xf32>
    %max3A_186 = vector.broadcast %broadcast_in_dim3A_124 : vector<256x1xf32> to vector<256x256xf32>
    %max3A_187 = vector.broadcast %broadcast_in_dim3A_146 : vector<1x256xf32> to vector<256x256xf32>
    %max3A_188 = arith.maximumf %max3A_186, %max3A_187 : vector<256x256xf32>
    %sub3A_189 = arith.subf %min3A_185, %max3A_188 : vector<256x256xf32>
    %max3A_190 = arith.constant 0.000000e+00 : f32
    %max3A_191 = vector.broadcast %max3A_190 : f32 to vector<256x256xf32>
    %max3A_192 = arith.maximumf %sub3A_189, %max3A_191 : vector<256x256xf32>
    %mul3A_193 = arith.mulf %max3A_182, %max3A_192 : vector<256x256xf32>
    %add3A_194 = vector.broadcast %mul3A_173 : vector<256x1xf32> to vector<256x256xf32>
    %add3A_195 = vector.broadcast %mul3A_164 : vector<1x256xf32> to vector<256x256xf32>
    %add3A_196 = arith.addf %add3A_194, %add3A_195 : vector<256x256xf32>
    %sub3A_197 = arith.subf %add3A_196, %mul3A_193 : vector<256x256xf32>
    %max3A_198 = arith.constant 9.99999996E-13 : f32
    %max3A_199 = vector.broadcast %max3A_198 : f32 to vector<256x256xf32>
    %max3A_200 = arith.maximumf %sub3A_197, %max3A_199 : vector<256x256xf32>
    %div3A_201 = arith.divf %mul3A_193, %max3A_200 : vector<256x256xf32>
    %swap3A = arith.constant 0 : index
    %swap3A_202 = arith.constant 0 : index
    %swap3A_203 = vector.load %arg6[%swap3A, %swap3A_202] : memref<256x256xf32, #tpu.memory_space<vmem>>, vector<256x256xf32>
    tpu.vector_store %arg6[%swap3A, %swap3A_202], %div3A_201 {strides = array<i32>} : memref<256x256xf32, #tpu.memory_space<vmem>>, vector<256x256xf32>,
    %gt3A_204 = arith.constant 0.00999999977 : f32
    %gt3A_205 = vector.broadcast %gt3A_204 : f32 to vector<1x256xf32>
    %gt3A_206 = arith.cmpf ogt, %scan3A_75#1, %gt3A_205 : vector<1x256xf32>
    %jit3A_207 = arith.constant 1.000000e+00 : f32
    %jit3A_208 = arith.constant 0.000000e+00 : f32
    %broadcast_in_dim3A_209 = vector.broadcast %jit3A_207 : f32 to vector<1x256xf32>
    %broadcast_in_dim3A_210 = vector.broadcast %jit3A_208 : f32 to vector<1x256xf32>
    %select_n3A_211 = arith.select %gt3A_206, %broadcast_in_dim3A_209, %broadcast_in_dim3A_210 : vector<1x256xi1>, vector<1x256xf32>
    %scan3A_212 = arith.constant 0 : i32
    %scan3A_213 = arith.constant 200 : i32
    %scan3A_214 = arith.addi %scan3A_212, %scan3A_213 : i32
    %scan3A_215 = arith.constant 1 : i32
    %scan3A_216 = scf.for %scan3A_329 = %scan3A_212 to %scan3A_214 step %scan3A_215 iter_args(%scan3A_330 = %select_n3A_211) -> (vector<1x256xf32>)  : i32 {
      %get3A_331 = arith.index_cast %scan3A_329 : i32 to index
      %get3A_332 = arith.constant 0 : index
      %get3A_333 = vector.load %arg6[%get3A_331, %get3A_332] : memref<256x256xf32, #tpu.memory_space<vmem>>, vector<1x256xf32>
      %convert_element_type3A_334 = arith.sitofp %scan3A_329 : i32 to f32
      %eq3A_335 = vector.broadcast %convert_element_type3A_334 : f32 to vector<1x256xf32>
      %eq3A_336 = arith.cmpf oeq, %convert_element_type3A_67, %eq3A_335 : vector<1x256xf32>
      %jit3A_337 = arith.constant 0.000000e+00 : f32
      %broadcast_in_dim3A_338 = vector.broadcast %jit3A_337 : f32 to vector<1x256xf32>
      %select_n3A_339 = arith.select %eq3A_336, %scan3A_330, %broadcast_in_dim3A_338 : vector<1x256xi1>, vector<1x256xf32>
      %reduce_sum3A_340 = vector.shape_cast %select_n3A_339 : vector<1x256xf32> to vector<1x1x256xf32>
      %reduce_sum3A_341 = arith.constant dense<0.000000e+00> : vector<1xf32>
      %reduce_sum3A_342 = vector.multi_reduction <add>, %reduce_sum3A_340, %reduce_sum3A_341 [1, 2] : vector<1x1x256xf32> to vector<1xf32>
      %reduce_sum3A_343 = vector.shape_cast %reduce_sum3A_342 : vector<1xf32> to vector<1x1x1xf32>
      %reduce_sum3A_344 = vector.extract %reduce_sum3A_343[0, 0, 0] : f32 from vector<1x1x1xf32>
      %gt3A_345 = arith.constant 0.000000e+00 : f32
      %gt3A_346 = arith.cmpf ogt, %reduce_sum3A_344, %gt3A_345 : f32
      %jit3A_347 = arith.constant 1.000000e+00 : f32
      %jit3A_348 = arith.constant 0.000000e+00 : f32
      %select_n3A_349 = arith.select %gt3A_346, %jit3A_347, %jit3A_348 : f32
      %gt3A_350 = arith.constant 4.500000e-01 : f32
      %gt3A_351 = vector.broadcast %gt3A_350 : f32 to vector<1x256xf32>
      %gt3A_352 = arith.cmpf ogt, %get3A_333, %gt3A_351 : vector<1x256xf32>
      %gt3A_353 = vector.broadcast %convert_element_type3A_334 : f32 to vector<1x256xf32>
      %gt3A_354 = arith.cmpf ogt, %convert_element_type3A_67, %gt3A_353 : vector<1x256xf32>
      %and3A_355 = arith.andi %gt3A_352, %gt3A_354 : vector<1x256xi1>
      %jit3A_356 = arith.constant 0.000000e+00 : f32
      %broadcast_in_dim3A_357 = vector.broadcast %select_n3A_349 : f32 to vector<1x256xf32>
      %broadcast_in_dim3A_358 = vector.broadcast %jit3A_356 : f32 to vector<1x256xf32>
      %select_n3A_359 = arith.select %and3A_355, %broadcast_in_dim3A_357, %broadcast_in_dim3A_358 : vector<1x256xi1>, vector<1x256xf32>
      %sub3A_360 = arith.constant 1.000000e+00 : f32
      %sub3A_361 = vector.broadcast %sub3A_360 : f32 to vector<1x256xf32>
      %sub3A_362 = arith.subf %sub3A_361, %select_n3A_359 : vector<1x256xf32>
      %mul3A_363 = arith.mulf %scan3A_330, %sub3A_362 : vector<1x256xf32>
      scf.yield %mul3A_363 : vector<1x256xf32>
    }
    %scan3A_217 = arith.constant 200 : i32
    %gt3A_218 = arith.constant 0.000000e+00 : f32
    %gt3A_219 = vector.broadcast %gt3A_218 : f32 to vector<1x256xf32>
    %gt3A_220 = arith.cmpf ogt, %scan3A_216, %gt3A_219 : vector<1x256xf32>
    %iota3A_221 = tpu.iota {dimensions = array<i32: 0>} : vector<256x256xi32>
    %iota3A_222 = tpu.iota {dimensions = array<i32: 1>} : vector<256x256xi32>
    %le3A = arith.cmpi sle, %iota3A_221, %iota3A_222 : vector<256x256xi32>
    %jit3A_223 = arith.constant 1.000000e+00 : f32
    %jit3A_224 = arith.constant 0.000000e+00 : f32
    %broadcast_in_dim3A_225 = vector.broadcast %jit3A_223 : f32 to vector<256x256xf32>
    %broadcast_in_dim3A_226 = vector.broadcast %jit3A_224 : f32 to vector<256x256xf32>
    %select_n3A_227 = arith.select %le3A, %broadcast_in_dim3A_225, %broadcast_in_dim3A_226 : vector<256x256xi1>, vector<256x256xf32>
    %dot_general3A_228 = arith.constant dense<0.000000e+00> : vector<1x256xf32>
    %dot_general3A_229 = tpu.matmul %scan3A_216, %select_n3A_227, %dot_general3A_228 {dimension_numbers = #tpu.dot_dimension_numbers<[1], [0], [0], [1], [0, 0, 1, 1], [], []>, transpose_lhs_hint = false} : vector<1x256xf32>, vector<256x256xf32>, vector<1x256xf32> -> vector<1x256xf32>
    %sub3A_230 = arith.constant 1.000000e+00 : f32
    %sub3A_231 = vector.broadcast %sub3A_230 : f32 to vector<1x256xf32>
    %sub3A_232 = arith.subf %dot_general3A_229, %sub3A_231 : vector<1x256xf32>
    %mul3A_233 = vector.broadcast %sub3A_232 : vector<1x256xf32> to vector<256x256xf32>
    %mul3A_234 = arith.mulf %select_n3A_83, %mul3A_233 : vector<256x256xf32>
    %reduce_sum3A_235 = arith.constant dense<0.000000e+00> : vector<256xf32>
    %reduce_sum3A_236 = vector.multi_reduction <add>, %mul3A_234, %reduce_sum3A_235 [1] : vector<256x256xf32> to vector<256xf32>
    %broadcast_in_dim3A_237 = vector.shape_cast %reduce_sum3A_236 : vector<256xf32> to vector<256x1xf32>
    %mul3A_238 = vector.broadcast %scan3A_216 : vector<1x256xf32> to vector<256x256xf32>
    %mul3A_239 = arith.mulf %select_n3A_83, %mul3A_238 : vector<256x256xf32>
    %reduce_sum3A_240 = arith.constant dense<0.000000e+00> : vector<256xf32>
    %reduce_sum3A_241 = vector.multi_reduction <add>, %mul3A_239, %reduce_sum3A_240 [1] : vector<256x256xf32> to vector<256xf32>
    %broadcast_in_dim3A_242 = vector.shape_cast %reduce_sum3A_241 : vector<256xf32> to vector<256x1xf32>
    %gt3A_243 = arith.constant 0.000000e+00 : f32
    %gt3A_244 = vector.broadcast %gt3A_243 : f32 to vector<256x1xf32>
    %gt3A_245 = arith.cmpf ogt, %broadcast_in_dim3A_242, %gt3A_244 : vector<256x1xf32>
    %eq3A_246 = vector.broadcast %broadcast_in_dim3A_237 : vector<256x1xf32> to vector<256x256xf32>
    %eq3A_247 = vector.broadcast %convert_element_type3A_67 : vector<1x256xf32> to vector<256x256xf32>
    %eq3A_248 = arith.cmpf oeq, %eq3A_246, %eq3A_247 : vector<256x256xf32>
    %and3A = vector.broadcast %gt3A_245 : vector<256x1xi1> to vector<256x256xi1>
    %and3A_249 = arith.andi %eq3A_248, %and3A : vector<256x256xi1>
    %jit3A_250 = arith.constant 1.000000e+00 : f32
    %jit3A_251 = arith.constant 0.000000e+00 : f32
    %broadcast_in_dim3A_252 = vector.broadcast %jit3A_250 : f32 to vector<256x256xf32>
    %broadcast_in_dim3A_253 = vector.broadcast %jit3A_251 : f32 to vector<256x256xf32>
    %select_n3A_254 = arith.select %and3A_249, %broadcast_in_dim3A_252, %broadcast_in_dim3A_253 : vector<256x256xi1>, vector<256x256xf32>
    %jit3A_255 = arith.constant 0.000000e+00 : f32
    %broadcast_in_dim3A_256 = vector.broadcast %jit3A_255 : f32 to vector<1x256xf32>
    %select_n3A_257 = arith.select %gt3A_220, %scan3A_75#1, %broadcast_in_dim3A_256 : vector<1x256xi1>, vector<1x256xf32>
    %mul3A_258 = vector.broadcast %select_n3A_257 : vector<1x256xf32> to vector<256x256xf32>
    %mul3A_259 = arith.mulf %select_n3A_83, %mul3A_258 : vector<256x256xf32>
    %reduce_sum3A_260 = arith.constant dense<0.000000e+00> : vector<256xf32>
    %reduce_sum3A_261 = vector.multi_reduction <add>, %mul3A_259, %reduce_sum3A_260 [1] : vector<256x256xf32> to vector<256xf32>
    %broadcast_in_dim3A_262 = vector.shape_cast %reduce_sum3A_261 : vector<256xf32> to vector<256x1xf32>
    %mul3A_263 = vector.broadcast %broadcast_in_dim3A_262 : vector<256x1xf32> to vector<256x256xf32>
    %mul3A_264 = arith.mulf %select_n3A_254, %mul3A_263 : vector<256x256xf32>
    %reduce_sum3A_265 = arith.constant dense<0.000000e+00> : vector<256xf32>
    %reduce_sum3A_266 = vector.multi_reduction <add>, %mul3A_264, %reduce_sum3A_265 [0] : vector<256x256xf32> to vector<256xf32>
    %broadcast_in_dim3A_267 = vector.shape_cast %reduce_sum3A_266 : vector<256xf32> to vector<1x256xf32>
    %jit3A_268 = arith.constant 0.000000e+00 : f32
    %broadcast_in_dim3A_269 = vector.broadcast %jit3A_268 : f32 to vector<1x256xf32>
    %select_n3A_270 = arith.select %gt3A_220, %broadcast_in_dim3A_141, %broadcast_in_dim3A_269 : vector<1x256xi1>, vector<1x256xf32>
    %mul3A_271 = vector.broadcast %select_n3A_270 : vector<1x256xf32> to vector<256x256xf32>
    %mul3A_272 = arith.mulf %select_n3A_83, %mul3A_271 : vector<256x256xf32>
    %reduce_sum3A_273 = arith.constant dense<0.000000e+00> : vector<256xf32>
    %reduce_sum3A_274 = vector.multi_reduction <add>, %mul3A_272, %reduce_sum3A_273 [1] : vector<256x256xf32> to vector<256xf32>
    %broadcast_in_dim3A_275 = vector.shape_cast %reduce_sum3A_274 : vector<256xf32> to vector<256x1xf32>
    %mul3A_276 = vector.broadcast %broadcast_in_dim3A_275 : vector<256x1xf32> to vector<256x256xf32>
    %mul3A_277 = arith.mulf %select_n3A_254, %mul3A_276 : vector<256x256xf32>
    %reduce_sum3A_278 = arith.constant dense<0.000000e+00> : vector<256xf32>
    %reduce_sum3A_279 = vector.multi_reduction <add>, %mul3A_277, %reduce_sum3A_278 [0] : vector<256x256xf32> to vector<256xf32>
    %broadcast_in_dim3A_280 = vector.shape_cast %reduce_sum3A_279 : vector<256xf32> to vector<1x256xf32>
    %jit3A_281 = arith.constant 0.000000e+00 : f32
    %broadcast_in_dim3A_282 = vector.broadcast %jit3A_281 : f32 to vector<1x256xf32>
    %select_n3A_283 = arith.select %gt3A_220, %broadcast_in_dim3A_146, %broadcast_in_dim3A_282 : vector<1x256xi1>, vector<1x256xf32>
    %mul3A_284 = vector.broadcast %select_n3A_283 : vector<1x256xf32> to vector<256x256xf32>
    %mul3A_285 = arith.mulf %select_n3A_83, %mul3A_284 : vector<256x256xf32>
    %reduce_sum3A_286 = arith.constant dense<0.000000e+00> : vector<256xf32>
    %reduce_sum3A_287 = vector.multi_reduction <add>, %mul3A_285, %reduce_sum3A_286 [1] : vector<256x256xf32> to vector<256xf32>
    %broadcast_in_dim3A_288 = vector.shape_cast %reduce_sum3A_287 : vector<256xf32> to vector<256x1xf32>
    %mul3A_289 = vector.broadcast %broadcast_in_dim3A_288 : vector<256x1xf32> to vector<256x256xf32>
    %mul3A_290 = arith.mulf %select_n3A_254, %mul3A_289 : vector<256x256xf32>
    %reduce_sum3A_291 = arith.constant dense<0.000000e+00> : vector<256xf32>
    %reduce_sum3A_292 = vector.multi_reduction <add>, %mul3A_290, %reduce_sum3A_291 [0] : vector<256x256xf32> to vector<256xf32>
    %broadcast_in_dim3A_293 = vector.shape_cast %reduce_sum3A_292 : vector<256xf32> to vector<1x256xf32>
    %jit3A_294 = arith.constant 0.000000e+00 : f32
    %broadcast_in_dim3A_295 = vector.broadcast %jit3A_294 : f32 to vector<1x256xf32>
    %select_n3A_296 = arith.select %gt3A_220, %broadcast_in_dim3A_151, %broadcast_in_dim3A_295 : vector<1x256xi1>, vector<1x256xf32>
    %mul3A_297 = vector.broadcast %select_n3A_296 : vector<1x256xf32> to vector<256x256xf32>
    %mul3A_298 = arith.mulf %select_n3A_83, %mul3A_297 : vector<256x256xf32>
    %reduce_sum3A_299 = arith.constant dense<0.000000e+00> : vector<256xf32>
    %reduce_sum3A_300 = vector.multi_reduction <add>, %mul3A_298, %reduce_sum3A_299 [1] : vector<256x256xf32> to vector<256xf32>
    %broadcast_in_dim3A_301 = vector.shape_cast %reduce_sum3A_300 : vector<256xf32> to vector<256x1xf32>
    %mul3A_302 = vector.broadcast %broadcast_in_dim3A_301 : vector<256x1xf32> to vector<256x256xf32>
    %mul3A_303 = arith.mulf %select_n3A_254, %mul3A_302 : vector<256x256xf32>
    %reduce_sum3A_304 = arith.constant dense<0.000000e+00> : vector<256xf32>
    %reduce_sum3A_305 = vector.multi_reduction <add>, %mul3A_303, %reduce_sum3A_304 [0] : vector<256x256xf32> to vector<256xf32>
    %broadcast_in_dim3A_306 = vector.shape_cast %reduce_sum3A_305 : vector<256xf32> to vector<1x256xf32>
    %jit3A_307 = arith.constant 0.000000e+00 : f32
    %broadcast_in_dim3A_308 = vector.broadcast %jit3A_307 : f32 to vector<1x256xf32>
    %select_n3A_309 = arith.select %gt3A_220, %broadcast_in_dim3A_156, %broadcast_in_dim3A_308 : vector<1x256xi1>, vector<1x256xf32>
    %mul3A_310 = vector.broadcast %select_n3A_309 : vector<1x256xf32> to vector<256x256xf32>
    %mul3A_311 = arith.mulf %select_n3A_83, %mul3A_310 : vector<256x256xf32>
    %reduce_sum3A_312 = arith.constant dense<0.000000e+00> : vector<256xf32>
    %reduce_sum3A_313 = vector.multi_reduction <add>, %mul3A_311, %reduce_sum3A_312 [1] : vector<256x256xf32> to vector<256xf32>
    %broadcast_in_dim3A_314 = vector.shape_cast %reduce_sum3A_313 : vector<256xf32> to vector<256x1xf32>
    %mul3A_315 = vector.broadcast %broadcast_in_dim3A_314 : vector<256x1xf32> to vector<256x256xf32>
    %mul3A_316 = arith.mulf %select_n3A_254, %mul3A_315 : vector<256x256xf32>
    %reduce_sum3A_317 = arith.constant dense<0.000000e+00> : vector<256xf32>
    %reduce_sum3A_318 = vector.multi_reduction <add>, %mul3A_316, %reduce_sum3A_317 [0] : vector<256x256xf32> to vector<256xf32>
    %broadcast_in_dim3A_319 = vector.shape_cast %reduce_sum3A_318 : vector<256xf32> to vector<1x256xf32>
    %broadcast_in_dim3A_320 = arith.constant 0.000000e+00 : f32
    %broadcast_in_dim3A_321 = vector.broadcast %broadcast_in_dim3A_320 : f32 to vector<3x256xf32>
    %concatenate3A = tpu.concatenate %broadcast_in_dim3A_267, %broadcast_in_dim3A_280, %broadcast_in_dim3A_293, %broadcast_in_dim3A_306, %broadcast_in_dim3A_319, %broadcast_in_dim3A_321 in 0 : vector<1x256xf32>, vector<1x256xf32>, vector<1x256xf32>, vector<1x256xf32>, vector<1x256xf32>, vector<3x256xf32> -> vector<8x256xf32>
    %swap3A_322 = arith.constant 0 : index
    %swap3A_323 = arith.constant 0 : index
    %swap3A_324 = arith.constant 0 : index
    %swap3A_325 = arith.constant 0 : index
    %swap3A_326 = vector.load %arg5[%swap3A_322, %swap3A_323, %swap3A_324, %swap3A_325] : memref<1x1x8x256xf32, #tpu.memory_space<vmem>>, vector<1x1x8x256xf32>
    %swap3A_327 = vector.shape_cast %swap3A_326 : vector<1x1x8x256xf32> to vector<8x256xf32>
    %swap3A_328 = vector.shape_cast %concatenate3A : vector<8x256xf32> to vector<1x1x8x256xf32>
    tpu.vector_store %arg5[%swap3A_322, %swap3A_323, %swap3A_324, %swap3A_325], %swap3A_328 {strides = array<i32>} : memref<1x1x8x256xf32, #tpu.memory_space<vmem>>, vector<1x1x8x256xf32>,
    return
  }
  func.func @transform_0(%arg0: i32, %arg1: i32) -> (i32, i32, i32, i32) {
    %c0_i32 = arith.constant 0 : i32
    %c0_i32_0 = arith.constant 0 : i32
    %c0_i32_1 = arith.constant 0 : i32
    return %arg0, %arg1, %c0_i32, %c0_i32_0 : i32, i32, i32, i32
  }
  func.func @transform_1(%arg0: i32, %arg1: i32) -> (i32, i32, i32, i32) {
    %c0_i32 = arith.constant 0 : i32
    %c0_i32_0 = arith.constant 0 : i32
    %c0_i32_1 = arith.constant 0 : i32
    %c0_i32_2 = arith.constant 0 : i32
    return %arg0, %c0_i32, %c0_i32_0, %c0_i32_1 : i32, i32, i32, i32
  }
  func.func @transform_2(%arg0: i32, %arg1: i32) -> (i32, i32, i32) {
    %c0_i32 = arith.constant 0 : i32
    %c0_i32_0 = arith.constant 0 : i32
    %c0_i32_1 = arith.constant 0 : i32
    %c0_i32_2 = arith.constant 0 : i32
    return %c0_i32, %c0_i32_0, %c0_i32_1 : i32, i32, i32
  }
  func.func @transform_3(%arg0: i32, %arg1: i32) -> (i32, i32, i32, i32) {
    %c0_i32 = arith.constant 0 : i32
    %c0_i32_0 = arith.constant 0 : i32
    %c0_i32_1 = arith.constant 0 : i32
    return %arg0, %arg1, %c0_i32, %c0_i32_0 : i32, i32, i32, i32
  }
}

</mosaic_0001>

<sc_bundles>
// kernel: sparse-core-data-format-call.1.cloned.1.call-start
scs
called_computation.1_lowered:
.L_overlay_start_0:
0x0: {  	s1 =	sld [smem:$0x3FD9]  }
0x1: {  	s2 =	sld [smem:$0x3FFE];
	_ =	sdelay $0x1  }
0x2: {  	s3 =	srdreg.scid  }
0x3: {  	s0 =	sand.u32 $0x1, s3  }
0x4: {  	s17 =	sshll.u32 s0, $0xA;
	s1 =	sadd.s32 s2, s1  }
0x5: {  	s1 =	sadd.s32 s1, s17  }
0x6: {  	[smem:$0x3FC5] =	sst s1  }
0x7: {  	_ = 	snop  }
0x8: {  	(tm) =	ssettm $0x1  }
0x9: {  	s18 =	sld [smem:$0x3FFB];
	_ =	sdelay $0x3  }
0xa: {  	_ =	strace s18  }
0xb: {  	s1 =	sld [smem:$0x3FFC];
	_ =	sdelay $0x3  }
0xc: {  	_ =	strace s1  }
0xd: {  	s1 =	sld [smem:$0x3FFD];
	_ =	sdelay $0x3  }
0xe: {  	_ =	strace s1  }
0xf: {  	_ =	strace $0x8FFFFFFF  }
0x10: {  	s19 =	sld [smem:$0x3FDB];
	_ =	sdelay $0x1  }
0x11: {  	s20 =	simm.s32 $_scs_section_size  }
0x12: {  	s4 =	simm.s32 $_size__tile_overlayer_lowered;
	s5 =	simm.s32 $_tile_overlayer_lowered  }
0x13: {  	s23 =	simm.s32 $0x1BFF;
	s22 =	sshll.u32 s5, $0x1;
	s1 =	sadd.s32 s20, s19  }
0x14: {  	s6 =	simm.s32 $0x0;
	s21 =	sshll.u32 s4, $0x1;
	s4 =	sadd.s32 s22, s1  }
0x15: {  	[timem:s6], [sflag:s23] =	dma.local [hbm:s4], s21  }
0x16: {  	_ =	swait.ge [sflag:s23], s21  }
0x17: {  	s2 =	ssub.s32 $0x0, s21;
	[sflag:s23] =	ssyncset.done $0x0  }
0x18: {  	[sflag:s23] =	ssyncadd.s32 s2;
	_ =	sdelay $0x1  }
0x19: {  	s24 =	simm.s32 $0x1B8B  }
0x1a: {  	_ =	swait.ge [sflag:s24], $0x1  }
0x1b: {  	[sflag:s24] =	ssyncset.done $0x0  }
0x1c: {  	s26 =	simm.s32 $0x1B8E;
	s25 =	sld [smem:$0x3FFE];
	[sflag:s24] =	ssyncadd.s32 $0xFFFFFFFF  }
0x1d: {  	s27 =	simm.s32 $execute0_lowered;
	[smem:$0x3FD2] =	sst s26  }
0x1e: {  	s4 =	sshll.u32 s27, $0x1;
	_ =	strace $0x80000046;
	[dreg:$0x1] =	wrdreg $0xFFFFFFFF  }
0x1f: {  	s28 =	simm.s32 $_size_execute0_lowered;
	s1 =	sadd.s32 s1, s4;
	[dreg:$0x0] =	wrdreg $0x0  }
0x20: {  	s4 =	sshll.u32 s28, $0x1;
	[dreg:$0x2] =	wrdreg s1  }
0x21: {  	[dreg:$0x3] =	wrdreg s4  }
0x22: {  	[dreg:$0x4] =	wrdreg $0xC0  }
0x23: {  	_ =	task [dreg:s6], $0x5FFFF  }
0x24: {  	[dreg:$0x1] =	wrdreg $0xFFFFFFFF  }
0x25: {  	[dreg:$0x0] =	wrdreg $0x60  }
0x26: {  	[dreg:$0x2] =	wrdreg s25  }
0x27: {  	[dreg:$0x3] =	wrdreg $0x9  }
0x28: {  	_ =	task.clear_ibuf [dreg:s6], $0x4FFFF;
	_ =	strace $0x90000046  }
0x29: {  	s29 =	simm.s32 $0x9;
	_ =	strace $0x80000048  }
0x2a: {  	_ =	swait.ge [sflag:s29], $0x1  }
0x2b: {  	[sflag:s29] =	ssyncadd.s32 $0xFFFFFFFF  }
0x2c: {  	_ =	strace $0x90000048  }
0x2d: {  	_ =	sfence  }
0x2e: {  	s30 =	sld [smem:$0x0];
	_ =	sdelay $0x2  }
0x2f: {  	s31 =	sshll.u32 s3, $0xD;
	s3 =	sshrl.u32 s3, $0x2  }
0x30: {  	s2 =	sand.u32 $0x4000, s31;
	s1 =	sadd.s32 s3, s30  }
0x31: {  	s0 =	sor.u32 s2, s0;
	s1 =	sshll.u32 s1, $0x11  }
0x32: {  	s0 =	sor.u32 s1, s0  }
0x33: {  	s0 =	sadd.s32 $0x8F2B, s0  }
0x34: {  	[sflag:s0] =	ssyncadd.remote.s32 $0x1  }
0x35: {  	_ =	sfence.sel $0xFFFF  }
0x36: {  	[dreg:$0x0] =	wrdreg $0xFFFFFFFF;
	(pc) =	sbr.abs _section_cstart, $3  }
0x37: {  	[dreg:$0x1] =	wrdreg $0xFFFFFFFF  }
0x38: {  	_ =	task.clear_ibuf [dreg:s6], $0x2FFFF;
	_ =	strace $0x9FFFFFFF  }
0x39: {  	(tm) =	ssettm $0x7FFFFFFF  }
tec
execute0_lowered:
.L_overlay_start_1:
0x0: {  	(tag) =	ssettag $0x1  }
0x1: {  	s0 =	srdreg.scid;
	s5 =	rddreg [dreg:$0x0];
	s6 =	simm.s32 $0x2  }
0x2: {  	s15 =	simm.s32 $0x0;
	s8 =	simm.s32 $0x1AFC00;
	s1 =	sshll.u32 s0, $0x4  }
0x3: {  	s9 =	simm.s32 $0x0;
	s0 =	stileid.u32;
	s1 =	sand.u32 $0x10, s1  }
0x4: {  	s14 =	simm.s32 $0x0;
	s16 =	simm.s32 $0x0;
	s1 =	sor.u32 s0, s1  }
0x5: {  	s11 =	simm.s32 $0x0;
	s12 =	simm.s32 $0x0;
	s2 =	sshll.u32 s1, $0x7  }
.Ltmp0:
0x6: {  	s13 =	simm.s32 $0x0;
	s3 =	ssub.s32 $0x4E00, s2;
	(pc) =	sbr.rel .LBB1_1-.Ltmp0, $4  }
0x7: {  	s1 =	rddreg [dreg:$0x1];
	_ =	strace $0x80000047;
	s4 =	sshrl.u32 s3, $0xC  }
0x8: {  	s10 =	smov.u32 s2;
	s3 =	simm.s32 $0x1;
	s7 =	smul.u32 $0xB, s4  }
0x9: {  	s4 =	sadd.s32 $0xC00, s5;
	[sflag:s3] =	ssyncpa.u1 $0x0;
	s5 =	sadd.s32 $0x18E400, s5  }
0xa: {  	[sflag:s6] =	ssyncpa.u1 $0x0;
	s6 =	sadd.s32 $0xB, s7;
	s7 =	sadd.s32 $0xC, s7  }
.LBB1_7:
0xb: {  	s17 =	sadd.s32 $0x1000, s10  }
0xc: {  	s14 =	sadd.s32 $0x8, s11;
	s18 =	smov.u32 s11;
	p1 =	sgt.s32 s17, $0x4E1F  }
0xd: {  	s18 =	smov.u32 @p1 s14  }
0xe: {  	s20 =	smov.u32 s12;
	s14 =	sadd.s32 $0x8, s12;
	p2 =	sgt.s32 s18, $0x7  }
0xf: {  	s20 =	smov.u32 @p2 s14  }
0x10: {  	s17 =	smov.u32 @p1 s2;
	p1 =	sgt.s32 s20, $0x50  }
0x11: {  	p0 =	slt.u32 s13, $0x2;
	s20 =	simm.s32 @p1 $0x0;
	p1 =	sne.s32 s13, s7  }
.Ltmp1:
0x12: {  	s19 =	simm.s32 @!p0 $0x2;
	(pc) =	sbr.rel @!p1 .LBB1_8-.Ltmp1, $4  }
0x13: {  	s15 =	smov.u32 s10;
	s16 =	smov.u32 s12;
	_ =	swait.ge @!p0 [sflag:s19], $0x2000  }
0x14: {  	s9 =	sadd.s32 $0x2000, s9;
	[sflag:s19] =	ssyncset.done @!p0 $0x0;
	s10 =	smov.u32 s17  }
0x15: {  	s18 =	simm.s32 @p2 $0x0;
	s14 =	smov.u32 s11;
	[sflag:s19] =	ssyncadd.s32 @!p0 $0xFFFFE000  }
0x16: {  	s11 =	smov.u32 s18;
	s13 =	sadd.s32 $0x1, s13;
	s12 =	smov.u32 s20  }
.LBB1_1:
0x17: {  	p0 =	sge.u32 s13, s6;
	s21 =	smov.u32 s10  }
0x18: {  	s17 =	sshrl.u32 @!p0 s11, $0x3;
	s18 =	sshll.u32 @!p0 s10, $0x3;
	s19 =	sshll.u32 @!p0 s11, $0x7  }
0x19: {  	p1 =	sgt.s32 @!p0 s12, $0x49;
	s20 =	sshra.s32 @!p0 s12, $0x1F;
	s17 =	smul.u32 @!p0 $0x27400, s17  }
0x1a: {  	s22 =	sshra.s32 @!p0 s10, $0x1F;
	s18 =	sand.u32 @!p0 $0xFFFFFC00, s18;
	p1 =	por !p1, p0  }
0x1b: {  	s20 =	sand.u32 @!p0 s20, s12;
	s17 =	sadd.s32 @!p0 s17, s18;
	s18 =	sand.u32 @!p0 $0x380, s19  }
0x1c: {  	s19 =	sand.u32 @!p0 $0x7F, s10;
	s17 =	sor.u32 @!p0 s18, s17;
	s18 =	smov.u32 s12  }
0x1d: {  	s18 =	simm.s32 @p1 $0x49;
	p1 =	sgt.s32 @!p0 s10, $0x4E00;
	s19 =	sor.u32 @!p0 s19, s17  }
0x1e: {  	p1 =	por !p1, p0;
	s18 =	ssub.s32 @!p0 s18, s20;
	s20 =	sand.u32 @!p0 s22, s10  }
0x1f: {  	s21 =	simm.s32 @p1 $0x4E00;
	s22 =	sadd.s32 @!p0 $0xFFFFFFB7, s18;
	s18 =	ssub.s32 @!p0 $0x51, s18  }
0x20: {  	s20 =	ssub.s32 @!p0 s21, s20;
	p1 =	sgt.s32 @!p0 s22, $0x7;
	s21 =	ssub.s32 @!p0 $0x0, s11  }
0x21: {  	s22 =	sadd.s32 @!p0 $0xFFFFB200, s20;
	s21 =	smin.u32 @!p0 s11, s21;
	p1 =	por !p1, p0  }
0x22: {  	p2 =	sgt.s32 @!p0 s22, $0x7F;
	s22 =	smulhi.u32 @!p0 $0x342DA7F3, s19;
	p3 =	sgt.s32 @!p0 s21, $0x7  }
0x23: {  	s18 =	simm.s32 @!p1 $0x0;
	s21 =	ssub.s32 @!p0 $0x8, s21;
	p1 =	por !p3, p0  }
0x24: {  	s17 =	smulhi.u32 @!p0 $0x342DA7F3, s17;
	s20 =	ssub.s32 @!p0 $0x4E80, s20;
	s21 =	simm.s32 @!p1 $0x0  }
0x25: {  	s22 =	sshrl.u32 @!p0 s22, $0xC;
	p1 =	por !p2, p0;
	s18 =	smul.u32 @!p0 s21, s18  }
0x26: {  	s21 =	smul.u32 @!p0 $0x4E80, s22;
	s20 =	simm.s32 @!p1 $0x0  }
0x27: {  	s17 =	sshrl.u32 @!p0 s17, $0xC;
	s22 =	sxor.u32 @!p0 $0xFFFFFFFF, s13;
	s18 =	smul.u32 @!p0 s20, s18  }
0x28: {  	s17 =	sand.u32 @!p0 $0x7, s17;
	s20 =	sshll.u32 @!p0 s22, $0xD;
	s22 =	smul.u32 @!p0 $0x4E80, s12  }
0x29: {  	s17 =	smul.u32 @!p0 $0x9D0, s17;
	s19 =	ssub.s32 @!p0 s19, s21;
	s20 =	sand.u32 @!p0 $0x2000, s20  }
0x2a: {  	s18 =	sand.u32 @!p0 $0x3FFFFFFF, s18;
	s21 =	sadd.s32 @!p0 s4, s22;
	s22 =	sand.u32 @!p0 $0x7, s19  }
0x2b: {  	s19 =	sshrl.u32 @!p0 s19, $0x3;
	s17 =	sadd.s32 @!p0 s17, s21;
	s21 =	sshll.u32 @!p0 s22, $0x12  }
0x2c: {  	s17 =	sadd.s32 @!p0 s19, s17;
	s19 =	sor.u32 @!p0 $0x400, s21;
	s21 =	simm.s32 @!p0 $0x27400  }
0x2d: {  	[tilespmem:s20], [sflag:$0x1] =	stream.strided.gather @!p0 [hbm4b:s17+s19], s18, s21, s19, $0x38;
	[tilespmem:$0x8000] =	vst v63  }
0x2e: {  	p0 =	seq.s32 s13, $0x0  }
0x2f: {  	p1 =	sge.u32 @!p0 s13, s7  }
0x30: {  	p0 =	por p0, p1  }
.Ltmp2:
0x31: {  	_ = 	snop;
	(pc) =	sbr.rel @p0 .LBB1_7-.Ltmp2, $1  }
0x32: {  	_ =	sdelay $0x3  }
0x33: {  	p0 =	sgt.s32 s16, $0x49  }
0x34: {  	s17 =	smov.u32 s16;
	s18 =	sshra.s32 s16, $0x1F;
	s29 =	ssub.s32 $0x0, s14  }
0x35: {  	p1 =	sgt.s32 s15, $0x4E00;
	s17 =	simm.s32 @!p0 $0x49;
	s18 =	sand.u32 s18, s16  }
0x36: {  	s19 =	smov.u32 s15;
	s20 =	sshra.s32 s15, $0x1F;
	s17 =	ssub.s32 s17, s18  }
0x37: {  	s19 =	simm.s32 @!p1 $0x4E00;
	s20 =	sand.u32 s20, s15;
	s18 =	sadd.s32 $0xFFFFFFB7, s17  }
0x38: {  	s19 =	ssub.s32 s19, s20;
	p0 =	sgt.s32 s18, $0x7;
	s18 =	smin.u32 s14, s29  }
0x39: {  	s17 =	ssub.s32 $0x51, s17;
	p1 =	sgt.s32 s18, $0x7;
	s18 =	ssub.s32 $0x8, s18  }
0x3a: {  	s20 =	sadd.s32 $0xFFFFB200, s19;
	s17 =	simm.s32 @p0 $0x0;
	s18 =	simm.s32 @p1 $0x0  }
0x3b: {  	p0 =	sgt.s32 s20, $0x7F;
	s17 =	smul.u32 s18, s17;
	s18 =	ssub.s32 $0x4E80, s19  }
0x3c: {  	s18 =	simm.s32 @p0 $0x0  }
0x3d: {  	s17 =	smul.u32 s18, s17;
	_ =	sdelay $0x1  }
0x3e: {  	s30 =	sand.u32 $0x2000, s9;
	s31 =	sshll.u32 s13, $0xD;
	s17 =	sand.u32 $0x3FFFFFFF, s17  }
0x3f: {  	s20 =	sand.u32 $0x2000, s31;
	s19 =	sor.u32 $0x40, s30;
	_ =	swait.ge [sflag:s3], s17  }
0x40: {  	s18 =	sor.u32 $0x4040, s30;
	s17 =	ssub.s32 $0x0, s17;
	[sflag:s3] =	ssyncset.done $0x0  }
0x41: {  	[sflag:s3] =	ssyncadd.s32 s17;
	s17 =	sor.u32 $0x4000, s20;
	s20 =	simm.s32 $0x0  }
.LBB1_3:
0x42: {  	v0 =	vmov s19;
	_ =	sdelay $0x3  }
0x43: {  	s22 =	simm.s32 $0x0  }
0x44: {  	v6 =	vld.idx.msk [tilespmem:v0+s22+$0x30 ss:$0x1], $0xffff  }
0x45: {  	v7 =	vld.idx.msk [tilespmem:v0+s22+$0xFFFFFFC0 ss:$0x1], $0xffff  }
0x46: {  	v5 =	vld.idx.msk [tilespmem:v0+s22+$0xFFFFFFD0 ss:$0x1], $0xffff  }
0x47: {  	v4 =	vld.idx.msk [tilespmem:v0+s22+$0xFFFFFFE0 ss:$0x1], $0xffff  }
0x48: {  	v3 =	vld.idx.msk [tilespmem:v0+s22+$0xFFFFFFF0 ss:$0x1], $0xffff  }
0x49: {  	v1 =	vld.idx.msk [tilespmem:v0+s22+$0x0 ss:$0x1], $0xffff  }
0x4a: {  	v2 =	vld.idx.msk [tilespmem:v0+s22+$0x10 ss:$0x1], $0xffff;
	[tilespmem:s18+$0x30] =	vst v6  }
0x4b: {  	s21 =	simm.s32 $0x80;
	s23 =	simm.s32 $0x400;
	[tilespmem:s18+$0xFFFFFFC0] =	vst v7;
	v6 =	vld.idx.msk [tilespmem:v0+s22+$0x20 ss:$0x1], $0xffff;
	s22 =	smov.u32 s18  }
.LBB1_4:
0x4c: {  	p0 =	sne.s32 s23, $0xE00;
	v7 =	vld.idx.msk [tilespmem:v0+s21+$0x30 ss:$0x1], $0xffff;
	[tilespmem:s22+$0xFFFFFFD0] =	vst v5  }
0x4d: {  	v8 =	vld.idx.msk [tilespmem:v0+s21+$0xFFFFFFC0 ss:$0x1], $0xffff;
	[tilespmem:s22+$0xFFFFFFE0] =	vst v4  }
0x4e: {  	v5 =	vld.idx.msk [tilespmem:v0+s21+$0xFFFFFFD0 ss:$0x1], $0xffff;
	[tilespmem:s22+$0xFFFFFFF0] =	vst v3  }
.Ltmp3:
0x4f: {  	v4 =	vld.idx.msk [tilespmem:v0+s21+$0xFFFFFFE0 ss:$0x1], $0xffff;
	[tilespmem:s22+$0x0] =	vst v1;
	(pc) =	sbr.rel @p0 .LBB1_4-.Ltmp3, $4  }
0x50: {  	v3 =	vld.idx.msk [tilespmem:v0+s21+$0xFFFFFFF0 ss:$0x1], $0xffff;
	[tilespmem:s22+$0x10] =	vst v2  }
0x51: {  	v1 =	vld.idx.msk [tilespmem:v0+s21+$0x0 ss:$0x1], $0xffff;
	[tilespmem:s22+$0x20] =	vst v6;
	s22 =	sadd.s32 $0x400, s22  }
0x52: {  	v2 =	vld.idx.msk [tilespmem:v0+s21+$0x10 ss:$0x1], $0xffff;
	[tilespmem:s22+$0x30] =	vst v7  }
0x53: {  	[tilespmem:s22+$0xFFFFFFC0] =	vst v8;
	v6 =	vld.idx.msk [tilespmem:v0+s21+$0x20 ss:$0x1], $0xffff;
	s21 =	sshra.s32 s23, $0x2;
	s23 =	sadd.s32 $0x200, s23  }
0x54: {  	_ =	sdelay $0x2  }
0x55: {  	[tilespmem:s22+$0xFFFFFFD0] =	vst v5  }
0x56: {  	v56 =	vld.idx.msk [tilespmem:v0+s21+$0x30 ss:$0x1], $0xffff;
	[tilespmem:s22+$0xFFFFFFE0] =	vst v4  }
0x57: {  	v57 =	vld.idx.msk [tilespmem:v0+s21+$0xFFFFFFC0 ss:$0x1], $0xffff;
	[tilespmem:s22+$0xFFFFFFF0] =	vst v3  }
0x58: {  	v58 =	vld.idx.msk [tilespmem:v0+s21+$0xFFFFFFD0 ss:$0x1], $0xffff;
	[tilespmem:s22+$0x0] =	vst v1  }
0x59: {  	v59 =	vld.idx.msk [tilespmem:v0+s21+$0xFFFFFFE0 ss:$0x1], $0xffff;
	[tilespmem:s22+$0x10] =	vst v2  }
0x5a: {  	v60 =	vld.idx.msk [tilespmem:v0+s21+$0xFFFFFFF0 ss:$0x1], $0xffff;
	s31 =	sadd.s32 $0x400, s22;
	[tilespmem:s22+$0x20] =	vst v6  }
0x5b: {  	v61 =	vld.idx.msk [tilespmem:v0+s21+$0x0 ss:$0x1], $0xffff;
	[tilespmem:s31+$0x30] =	vst v56  }
0x5c: {  	v62 =	vld.idx.msk [tilespmem:v0+s21+$0x10 ss:$0x1], $0xffff;
	s20 =	sadd.s32 $0x1, s20;
	[tilespmem:s31+$0xFFFFFFC0] =	vst v57  }
0x5d: {  	v63 =	vld.idx.msk [tilespmem:v0+s21+$0x20 ss:$0x1], $0xffff;
	p0 =	sne.s32 s20, $0x8;
	[tilespmem:s31+$0xFFFFFFD0] =	vst v58  }
.Ltmp4:
0x5e: {  	[tilespmem:s31+$0xFFFFFFE0] =	vst v59;
	(pc) =	sbr.rel @p0 .LBB1_3-.Ltmp4, $4  }
0x5f: {  	[tilespmem:s31+$0xFFFFFFF0] =	vst v60  }
0x60: {  	[tilespmem:s31+$0x0] =	vst v61  }
0x61: {  	[tilespmem:s31+$0x10] =	vst v62  }
0x62: {  	s18 =	sadd.s32 $0x80, s18;
	s19 =	sadd.s32 $0x400, s19;
	[tilespmem:s31+$0x20] =	vst v63  }
0x63: {  	s18 =	sshrl.u32 s16, $0x3  }
0x64: {  	s19 =	sshll.u32 s15, $0x3;
	s18 =	smul.u32 $0x27400, s18  }
0x65: {  	s25 =	sshll.u32 s16, $0x7;
	s19 =	sand.u32 $0xFFFFFC00, s19  }
0x66: {  	s16 =	sand.u32 $0x380, s25;
	s18 =	sadd.s32 s18, s19  }
0x67: {  	s16 =	sor.u32 s16, s18  }
0x68: {  	s18 =	smulhi.u32 $0x342DA7F3, s16;
	_ =	sdelay $0x1  }
0x69: {  	s26 =	sand.u32 $0x7F, s15;
	s18 =	sshrl.u32 s18, $0xC  }
0x6a: {  	s15 =	sor.u32 s26, s16;
	s27 =	smulhi.u32 $0x2E8BA2F, s18  }
0x6b: {  	s16 =	smulhi.u32 $0x342DA7F3, s15  }
0x6c: {  	s19 =	smul.u32 $0x58, s27  }
0x6d: {  	s14 =	smul.u32 $0x35F80, s14;
	s16 =	sshrl.u32 s16, $0xC  }
0x6e: {  	s16 =	smul.u32 $0x4E80, s16;
	s18 =	ssub.s32 s18, s19  }
0x6f: {  	s28 =	smul.u32 $0x9D0, s18  }
.Ltmp5:
0x70: {  	s15 =	ssub.s32 s15, s16;
	(pc) =	sbr.rel .LBB1_7-.Ltmp5, $4  }
0x71: {  	s14 =	sadd.s32 s5, s14;
	s29 =	sand.u32 $0x7, s15  }
0x72: {  	s15 =	sshrl.u32 s15, $0x3;
	s30 =	sshll.u32 s29, $0x12;
	s14 =	sadd.s32 s28, s14  }
0x73: {  	s31 =	sor.u32 $0x400, s30;
	s14 =	sadd.s32 s15, s14  }
0x74: {  	[hbm4b:s14+s31] =	stream.strided.scatter [tilespmem:s17], [sflag:$0x2], $0x2000, s8, s31, $0x38;
	[tilespmem:$0x8000] =	vst v63  }
.LBB1_8:
0x75: {  	_ =	sfence.sel $0x180000  }
0x76: {  	s2 =	simm.s32 $0x1;
	[bflag:$0x0] =	sbarrier.arrive $0xFFFF  }
0x77: {  	s31 =	simm.s32 $0x2;
	[sflag:s2] =	ssyncpa.u1 $0x1  }
0x78: {  	[sflag:s31] =	ssyncpa.u1 $0x1  }
0x79: {  	p0 =	sne.s32 s0, $0x0;
	_ =	strace $0x90000047  }
0x7a: {  	s0 =	sadd.s32 @!p0 $0x100000, s1;
	[bflag:$0x2] =	sbarrier.arrive $0xFFFF  }
0x7b: {  	[sflag:s0] =	ssyncadd.tile.s32 @!p0 $0x1;
	_ =	shalt  }
.Lfunc_end1:
_tile_overlayer_lowered:
.L_overlay_start_2:
0x7c: {  	(tag) =	ssettag $0x2  }
0x7d: {  	s0 =	rddreg [dreg:$0x0];
	s2 =	stileid.u32  }
0x7e: {  	s1 =	rddreg [dreg:$0x1];
	p0 =	sne.s32 s2, $0x0  }
0x7f: {  	s3 =	rddreg [dreg:$0x2];
	[bflag:$0x3] =	sbarrier.arrive $0xFFFF;
	s2 =	simm.s32 @!p0 $0x1C01  }
0x80: {  	[timem:s3], [sflag:s2] =	dma.local @!p0 [hbm:s0], s1  }
0x81: {  	s0 =	simm.s32 @!p0 $0x1  }
0x82: {  	_ =	swait.ge @!p0 [sflag:s0], s1  }
0x83: {  	s1 =	ssub.s32 @!p0 $0x0, s1;
	[sflag:s0] =	ssyncset.done @!p0 $0x0  }
0x84: {  	[sflag:s0] =	ssyncadd.s32 @!p0 s1  }
0x85: {  	[bflag:$0x3] =	sbarrier.arrive $0xFFFF  }
0x86: {  	_ =	shalt  }

// kernel: sparse-core-data-format-call.cloned.1.call-start
scs
called_computation_lowered:
.L_overlay_start_0:
0x0: {  	s1 =	sld [smem:$0x3FD9]  }
0x1: {  	s2 =	sld [smem:$0x3FFE];
	_ =	sdelay $0x1  }
0x2: {  	s3 =	srdreg.scid  }
0x3: {  	s0 =	sand.u32 $0x1, s3  }
0x4: {  	s17 =	sshll.u32 s0, $0xA;
	s1 =	sadd.s32 s2, s1  }
0x5: {  	s1 =	sadd.s32 s1, s17  }
0x6: {  	[smem:$0x3FC5] =	sst s1  }
0x7: {  	_ = 	snop  }
0x8: {  	(tm) =	ssettm $0x1  }
0x9: {  	s18 =	sld [smem:$0x3FFB];
	_ =	sdelay $0x3  }
0xa: {  	_ =	strace s18  }
0xb: {  	s1 =	sld [smem:$0x3FFC];
	_ =	sdelay $0x3  }
0xc: {  	_ =	strace s1  }
0xd: {  	s1 =	sld [smem:$0x3FFD];
	_ =	sdelay $0x3  }
0xe: {  	_ =	strace s1  }
0xf: {  	_ =	strace $0x8FFFFFFF  }
0x10: {  	s19 =	sld [smem:$0x3FDB];
	_ =	sdelay $0x1  }
0x11: {  	s20 =	simm.s32 $_scs_section_size  }
0x12: {  	s4 =	simm.s32 $_size__tile_overlayer_lowered;
	s5 =	simm.s32 $_tile_overlayer_lowered  }
0x13: {  	s23 =	simm.s32 $0x1BFF;
	s22 =	sshll.u32 s5, $0x1;
	s1 =	sadd.s32 s20, s19  }
0x14: {  	s6 =	simm.s32 $0x0;
	s21 =	sshll.u32 s4, $0x1;
	s4 =	sadd.s32 s22, s1  }
0x15: {  	[timem:s6], [sflag:s23] =	dma.local [hbm:s4], s21  }
0x16: {  	_ =	swait.ge [sflag:s23], s21  }
0x17: {  	s2 =	ssub.s32 $0x0, s21;
	[sflag:s23] =	ssyncset.done $0x0  }
0x18: {  	[sflag:s23] =	ssyncadd.s32 s2;
	_ =	sdelay $0x1  }
0x19: {  	s24 =	simm.s32 $0x1B8B  }
0x1a: {  	_ =	swait.ge [sflag:s24], $0x1  }
0x1b: {  	[sflag:s24] =	ssyncset.done $0x0  }
0x1c: {  	s26 =	simm.s32 $0x1B8E;
	s25 =	sld [smem:$0x3FFE];
	[sflag:s24] =	ssyncadd.s32 $0xFFFFFFFF  }
0x1d: {  	s27 =	simm.s32 $execute0_lowered;
	[smem:$0x3FD2] =	sst s26  }
0x1e: {  	s4 =	sshll.u32 s27, $0x1;
	_ =	strace $0x80000049;
	[dreg:$0x1] =	wrdreg $0xFFFFFFFF  }
0x1f: {  	s28 =	simm.s32 $_size_execute0_lowered;
	s1 =	sadd.s32 s1, s4;
	[dreg:$0x0] =	wrdreg $0x0  }
0x20: {  	s4 =	sshll.u32 s28, $0x1;
	[dreg:$0x2] =	wrdreg s1  }
0x21: {  	[dreg:$0x3] =	wrdreg s4  }
0x22: {  	[dreg:$0x4] =	wrdreg $0xC0  }
0x23: {  	_ =	task [dreg:s6], $0x5FFFF  }
0x24: {  	[dreg:$0x1] =	wrdreg $0xFFFFFFFF  }
0x25: {  	[dreg:$0x0] =	wrdreg $0x60  }
0x26: {  	[dreg:$0x2] =	wrdreg s25  }
0x27: {  	[dreg:$0x3] =	wrdreg $0x9  }
0x28: {  	_ =	task.clear_ibuf [dreg:s6], $0x4FFFF;
	_ =	strace $0x90000049  }
0x29: {  	s29 =	simm.s32 $0x9;
	_ =	strace $0x8000004B  }
0x2a: {  	_ =	swait.ge [sflag:s29], $0x1  }
0x2b: {  	[sflag:s29] =	ssyncadd.s32 $0xFFFFFFFF  }
0x2c: {  	_ =	strace $0x9000004B  }
0x2d: {  	_ =	sfence  }
0x2e: {  	s30 =	sld [smem:$0x0];
	_ =	sdelay $0x2  }
0x2f: {  	s31 =	sshll.u32 s3, $0xD;
	s3 =	sshrl.u32 s3, $0x2  }
0x30: {  	s2 =	sand.u32 $0x4000, s31;
	s1 =	sadd.s32 s3, s30  }
0x31: {  	s0 =	sor.u32 s2, s0;
	s1 =	sshll.u32 s1, $0x11  }
0x32: {  	s0 =	sor.u32 s1, s0  }
0x33: {  	s0 =	sadd.s32 $0x8F2B, s0  }
0x34: {  	[sflag:s0] =	ssyncadd.remote.s32 $0x1  }
0x35: {  	_ =	sfence.sel $0xFFFF  }
0x36: {  	[dreg:$0x0] =	wrdreg $0xFFFFFFFF;
	(pc) =	sbr.abs _section_cstart, $3  }
0x37: {  	[dreg:$0x1] =	wrdreg $0xFFFFFFFF  }
0x38: {  	_ =	task.clear_ibuf [dreg:s6], $0x2FFFF;
	_ =	strace $0x9FFFFFFF  }
0x39: {  	(tm) =	ssettm $0x7FFFFFFF  }
tec
execute0_lowered:
.L_overlay_start_1:
0x0: {  	(tag) =	ssettag $0x1  }
0x1: {  	s0 =	srdreg.scid;
	s6 =	rddreg [dreg:$0x0];
	s4 =	simm.s32 $0x1  }
0x2: {  	s7 =	simm.s32 $0x2;
	s14 =	simm.s32 $0x0;
	s1 =	sshll.u32 s0, $0x4  }
0x3: {  	s8 =	simm.s32 $0x800;
	s0 =	stileid.u32;
	s1 =	sand.u32 $0x10, s1  }
0x4: {  	s9 =	simm.s32 $0x5000;
	s10 =	simm.s32 $0x0;
	s2 =	sor.u32 s0, s1  }
.Ltmp0:
0x5: {  	s15 =	simm.s32 $0x0;
	s3 =	ssub.s32 $0x6F, s2;
	(pc) =	sbr.rel .LBB1_1-.Ltmp0, $4  }
0x6: {  	s11 =	simm.s32 $0x0;
	s13 =	simm.s32 $0x0;
	s5 =	sshrl.u32 s3, $0x5  }
0x7: {  	s1 =	rddreg [dreg:$0x1];
	_ =	strace $0x8000004A;
	s5 =	smul.u32 $0xA, s5  }
0x8: {  	[sflag:s4] =	ssyncpa.u1 $0x0;
	s12 =	smov.u32 s2;
	s3 =	sadd.s32 $0x189400, s6  }
0x9: {  	s6 =	sadd.s32 $0x319400, s6;
	[sflag:s7] =	ssyncpa.u1 $0x0;
	s7 =	sor.u32 $0x1, s5  }
.LBB1_7:
0xa: {  	s16 =	sadd.s32 $0x10, s11  }
0xb: {  	s14 =	sadd.s32 $0x20, s12;
	s18 =	smov.u32 s12;
	p1 =	sgt.s32 s16, $0x9F  }
0xc: {  	s18 =	smov.u32 @p1 s14  }
0xd: {  	s16 =	simm.s32 @p1 $0x0;
	p1 =	sgt.s32 s18, $0x4F  }
0xe: {  	s18 =	smov.u32 @p1 s2;
	p1 =	sne.s32 s13, s7  }
.Ltmp1:
0xf: {  	p0 =	slt.u32 s13, $0x2;
	(pc) =	sbr.rel @!p1 .LBB1_8-.Ltmp1, $4  }
0x10: {  	s17 =	simm.s32 @!p0 $0x2  }
0x11: {  	s15 =	smov.u32 s12;
	s10 =	sadd.s32 $0x4000, s10;
	_ =	swait.ge @!p0 [sflag:s17], $0x4000  }
0x12: {  	s14 =	smov.u32 s11;
	[sflag:s17] =	ssyncset.done @!p0 $0x0;
	s11 =	smov.u32 s16  }
0x13: {  	s13 =	sadd.s32 $0x1, s13;
	[sflag:s17] =	ssyncadd.s32 @!p0 $0xFFFFC000;
	s12 =	smov.u32 s18  }
.LBB1_1:
0x14: {  	p0 =	sge.u32 s13, s5  }
0x15: {  	s16 =	smul.u32 @!p0 $0x5000, s12  }
0x16: {  	s31 =	sadd.s32 $0xFFFFFFFF, s13;
	s17 =	sxor.u32 @!p0 $0xFFFFFFFF, s13  }
0x17: {  	s18 =	sshll.u32 @!p0 s11, $0x7;
	s17 =	sshll.u32 @!p0 s17, $0xE;
	s16 =	sadd.s32 @!p0 s3, s16  }
0x18: {  	s17 =	sand.u32 @!p0 $0x4000, s17;
	s16 =	sadd.s32 @!p0 s18, s16;
	s18 =	simm.s32 @!p0 $0x0  }
0x19: {  	[tilespmem:s17], [sflag:$0x1] =	stream.linear.gather @!p0 [hbm4b:s16+s18], $0x4000, $0x38;
	[tilespmem:$0x10000] =	vst v63  }
0x1a: {  	p0 =	sge.u32 s31, s5  }
.Ltmp2:
0x1b: {  	_ = 	snop;
	(pc) =	sbr.rel @p0 .LBB1_7-.Ltmp2, $1  }
0x1c: {  	_ =	sdelay $0x3  }
0x1d: {  	s16 =	sand.u32 $0x4000, s10  }
0x1e: {  	_ =	swait.ge [sflag:s4], $0x4000;
	s19 =	sshll.u32 s13, $0xE;
	s17 =	sor.u32 $0x8040, s16  }
0x1f: {  	s18 =	sor.u32 $0x40, s16;
	[sflag:s4] =	ssyncset.done $0x0;
	s31 =	sand.u32 $0x4000, s19  }
0x20: {  	s19 =	simm.s32 $0x0;
	[sflag:s4] =	ssyncadd.s32 $0xFFFFC000;
	s16 =	sor.u32 $0x8000, s31  }
.LBB1_3:
0x21: {  	v0 =	vmov s18;
	_ =	sdelay $0x3  }
0x22: {  	s21 =	simm.s32 $0x0  }
0x23: {  	v6 =	vld.idx.msk [tilespmem:v0+s21+$0x30 ss:$0x1], $0xffff  }
0x24: {  	v7 =	vld.idx.msk [tilespmem:v0+s21+$0xFFFFFFC0 ss:$0x1], $0xffff  }
0x25: {  	v5 =	vld.idx.msk [tilespmem:v0+s21+$0xFFFFFFD0 ss:$0x1], $0xffff  }
0x26: {  	v4 =	vld.idx.msk [tilespmem:v0+s21+$0xFFFFFFE0 ss:$0x1], $0xffff  }
0x27: {  	v3 =	vld.idx.msk [tilespmem:v0+s21+$0xFFFFFFF0 ss:$0x1], $0xffff  }
0x28: {  	v1 =	vld.idx.msk [tilespmem:v0+s21+$0x0 ss:$0x1], $0xffff  }
0x29: {  	v2 =	vld.idx.msk [tilespmem:v0+s21+$0x10 ss:$0x1], $0xffff;
	[tilespmem:s17+$0x30] =	vst v6  }
0x2a: {  	s20 =	simm.s32 $0x80;
	s22 =	simm.s32 $0x400;
	[tilespmem:s17+$0xFFFFFFC0] =	vst v7;
	v6 =	vld.idx.msk [tilespmem:v0+s21+$0x20 ss:$0x1], $0xffff;
	s21 =	smov.u32 s17  }
.LBB1_4:
0x2b: {  	p0 =	sne.s32 s22, $0xE00;
	v7 =	vld.idx.msk [tilespmem:v0+s20+$0x30 ss:$0x1], $0xffff;
	[tilespmem:s21+$0xFFFFFFD0] =	vst v5  }
0x2c: {  	v8 =	vld.idx.msk [tilespmem:v0+s20+$0xFFFFFFC0 ss:$0x1], $0xffff;
	[tilespmem:s21+$0xFFFFFFE0] =	vst v4  }
0x2d: {  	v5 =	vld.idx.msk [tilespmem:v0+s20+$0xFFFFFFD0 ss:$0x1], $0xffff;
	[tilespmem:s21+$0xFFFFFFF0] =	vst v3  }
.Ltmp3:
0x2e: {  	v4 =	vld.idx.msk [tilespmem:v0+s20+$0xFFFFFFE0 ss:$0x1], $0xffff;
	[tilespmem:s21+$0x0] =	vst v1;
	(pc) =	sbr.rel @p0 .LBB1_4-.Ltmp3, $4  }
0x2f: {  	v3 =	vld.idx.msk [tilespmem:v0+s20+$0xFFFFFFF0 ss:$0x1], $0xffff;
	[tilespmem:s21+$0x10] =	vst v2  }
0x30: {  	v1 =	vld.idx.msk [tilespmem:v0+s20+$0x0 ss:$0x1], $0xffff;
	[tilespmem:s21+$0x20] =	vst v6;
	s21 =	sadd.s32 $0x800, s21  }
0x31: {  	v2 =	vld.idx.msk [tilespmem:v0+s20+$0x10 ss:$0x1], $0xffff;
	[tilespmem:s21+$0x30] =	vst v7  }
0x32: {  	[tilespmem:s21+$0xFFFFFFC0] =	vst v8;
	v6 =	vld.idx.msk [tilespmem:v0+s20+$0x20 ss:$0x1], $0xffff;
	s20 =	sshra.s32 s22, $0x2;
	s22 =	sadd.s32 $0x200, s22  }
0x33: {  	_ =	sdelay $0x2  }
0x34: {  	[tilespmem:s21+$0xFFFFFFD0] =	vst v5  }
0x35: {  	v56 =	vld.idx.msk [tilespmem:v0+s20+$0x30 ss:$0x1], $0xffff;
	[tilespmem:s21+$0xFFFFFFE0] =	vst v4  }
0x36: {  	v57 =	vld.idx.msk [tilespmem:v0+s20+$0xFFFFFFC0 ss:$0x1], $0xffff;
	[tilespmem:s21+$0xFFFFFFF0] =	vst v3  }
0x37: {  	v58 =	vld.idx.msk [tilespmem:v0+s20+$0xFFFFFFD0 ss:$0x1], $0xffff;
	[tilespmem:s21+$0x0] =	vst v1  }
0x38: {  	v59 =	vld.idx.msk [tilespmem:v0+s20+$0xFFFFFFE0 ss:$0x1], $0xffff;
	[tilespmem:s21+$0x10] =	vst v2  }
0x39: {  	v60 =	vld.idx.msk [tilespmem:v0+s20+$0xFFFFFFF0 ss:$0x1], $0xffff;
	s31 =	sadd.s32 $0x800, s21;
	[tilespmem:s21+$0x20] =	vst v6  }
0x3a: {  	v61 =	vld.idx.msk [tilespmem:v0+s20+$0x0 ss:$0x1], $0xffff;
	[tilespmem:s31+$0x30] =	vst v56  }
0x3b: {  	v62 =	vld.idx.msk [tilespmem:v0+s20+$0x10 ss:$0x1], $0xffff;
	s19 =	sadd.s32 $0x1, s19;
	[tilespmem:s31+$0xFFFFFFC0] =	vst v57  }
0x3c: {  	v63 =	vld.idx.msk [tilespmem:v0+s20+$0x20 ss:$0x1], $0xffff;
	p0 =	sne.s32 s19, $0x10;
	[tilespmem:s31+$0xFFFFFFD0] =	vst v58  }
.Ltmp4:
0x3d: {  	[tilespmem:s31+$0xFFFFFFE0] =	vst v59;
	(pc) =	sbr.rel @p0 .LBB1_3-.Ltmp4, $4  }
0x3e: {  	[tilespmem:s31+$0xFFFFFFF0] =	vst v60  }
0x3f: {  	[tilespmem:s31+$0x0] =	vst v61  }
0x40: {  	[tilespmem:s31+$0x10] =	vst v62  }
0x41: {  	s17 =	sadd.s32 $0x80, s17;
	s18 =	sadd.s32 $0x400, s18;
	[tilespmem:s31+$0x20] =	vst v63  }
0x42: {  	s14 =	sand.u32 $0x1FFFFFF, s14  }
0x43: {  	s17 =	smulhi.u32 $0x199999A, s14  }
0x44: {  	s15 =	smul.u32 $0x5000, s15  }
0x45: {  	s17 =	smul.u32 $0xA0, s17  }
.Ltmp5:
0x46: {  	_ = 	snop;
	(pc) =	sbr.rel .LBB1_7-.Ltmp5, $4  }
0x47: {  	s14 =	ssub.s32 s14, s17  }
0x48: {  	s15 =	sadd.s32 s6, s15;
	s14 =	sshll.u32 s14, $0x4  }
0x49: {  	s14 =	sadd.s32 s14, s15  }
0x4a: {  	[hbm4b:s14+s8] =	stream.strided.scatter [tilespmem:s16], [sflag:$0x2], $0x4000, s9, s8, $0x38;
	[tilespmem:$0x10000] =	vst v63  }
.LBB1_8:
0x4b: {  	_ =	sfence.sel $0x180000  }
0x4c: {  	s2 =	simm.s32 $0x1;
	[bflag:$0x0] =	sbarrier.arrive $0xFFFF  }
0x4d: {  	s31 =	simm.s32 $0x2;
	[sflag:s2] =	ssyncpa.u1 $0x1  }
0x4e: {  	[sflag:s31] =	ssyncpa.u1 $0x1  }
0x4f: {  	p0 =	sne.s32 s0, $0x0;
	_ =	strace $0x9000004A  }
0x50: {  	s0 =	sadd.s32 @!p0 $0x100000, s1;
	[bflag:$0x2] =	sbarrier.arrive $0xFFFF  }
0x51: {  	[sflag:s0] =	ssyncadd.tile.s32 @!p0 $0x1;
	_ =	shalt  }
.Lfunc_end1:
_tile_overlayer_lowered:
.L_overlay_start_2:
0x52: {  	(tag) =	ssettag $0x2  }
0x53: {  	s0 =	rddreg [dreg:$0x0];
	s2 =	stileid.u32  }
0x54: {  	s1 =	rddreg [dreg:$0x1];
	p0 =	sne.s32 s2, $0x0  }
0x55: {  	s3 =	rddreg [dreg:$0x2];
	[bflag:$0x3] =	sbarrier.arrive $0xFFFF;
	s2 =	simm.s32 @!p0 $0x1C01  }
0x56: {  	[timem:s3], [sflag:s2] =	dma.local @!p0 [hbm:s0], s1  }
0x57: {  	s0 =	simm.s32 @!p0 $0x1  }
0x58: {  	_ =	swait.ge @!p0 [sflag:s0], s1  }
0x59: {  	s1 =	ssub.s32 @!p0 $0x0, s1;
	[sflag:s0] =	ssyncset.done @!p0 $0x0  }
0x5a: {  	[sflag:s0] =	ssyncadd.s32 @!p0 s1  }
0x5b: {  	[bflag:$0x3] =	sbarrier.arrive $0xFFFF  }
0x5c: {  	_ =	shalt  }

</sc_bundles>
